<compile_context>
chip_gen: v7x
topology: tpu7x:2x2x1
jax: 0.10.2.dev20260603
libtpu: 0.0.44.dev20260713+nightly
codegen_flags: <defaults>
</compile_context>

<pallas_src>
import functools

import jax
import jax.numpy as jnp
from jax import lax
from jax.experimental import pallas as pl
from jax.experimental.pallas import tpu as pltpu
from jax.experimental.pallas import tpu_sc as plsc

NC = 2
NS = 16
NW = NC * NS
LANES = 16


def _pick_chunk(epw: int) -> int:
    for c in (128, 120, 112, 104, 96, 88, 80, 72, 64, 56, 48, 40, 32, 24, 16, 8):
        if epw % c == 0:
            return c
    raise ValueError(f"no valid chunk for {epw}")


def _mul_rows_kernel(x_ref, c_ref, o_ref):
    o_ref[...] = x_ref[...] * c_ref[...]


def _combine_kernel(p_ref, c_ref, o_ref):
    o_ref[...] = (p_ref[0] + p_ref[1]) * c_ref[...]


def _sc_aggregate(weighted, src2d, dst2d, n, d, chunk, nchunk_w, zrows):
    nchunks = src2d.shape[0]
    rows_per_tile = n // NS
    nzcopy = rows_per_tile // zrows
    mesh = plsc.VectorSubcoreMesh(core_axis_name="c", subcore_axis_name="s")

    @functools.partial(
        pl.kernel,
        mesh=mesh,
        out_type=jax.ShapeDtypeStruct((NC, n, d), jnp.float32),
        compiler_params=pltpu.CompilerParams(use_tc_tiling_on_sc=False),
        scratch_types=[
            pltpu.VMEM((nchunk_w, chunk), jnp.int32),
            pltpu.VMEM((nchunk_w, chunk), jnp.int32),
            pltpu.VMEM((2, chunk, d), jnp.float32),
            pltpu.VMEM((zrows, d), jnp.float32),
            pltpu.VMEM_SHARED((n, d), jnp.float32),
            pltpu.SemaphoreType.DMA,
            pltpu.SemaphoreType.DMA,
        ],
    )
    def k(w_hbm, src_hbm, dst_hbm, out_hbm, src_v, dst_v, rows_v, znd_v, acc,
          sem_a, sem_b):
        c = lax.axis_index("c")
        s = lax.axis_index("s")
        wid = c * NS + s
        base_chunk = wid * nchunk_w
        row0 = s * rows_per_tile

        pltpu.sync_copy(src_hbm.at[pl.ds(base_chunk, nchunk_w)], src_v)
        pltpu.sync_copy(dst_hbm.at[pl.ds(base_chunk, nchunk_w)], dst_v)

        zvec = jnp.zeros((LANES,), jnp.float32)

        def zrow(r, _):
            for col in range(0, d, LANES):
                znd_v[r, pl.ds(col, LANES)] = zvec
            return 0

        lax.fori_loop(0, zrows, zrow, 0)
        for kk in range(nzcopy):
            pltpu.sync_copy(znd_v, acc.at[pl.ds(row0 + kk * zrows, zrows)])
        plsc.subcore_barrier()

        def gather(j, b, sem):
            pltpu.async_copy(w_hbm.at[src_v.at[j]], rows_v.at[b], sem)

        def gwait(j, b, sem):
            pltpu.make_async_copy(w_hbm.at[src_v.at[j]], rows_v.at[b], sem).wait()

        def scat(j, b):
            pltpu.sync_copy(rows_v.at[b], acc.at[dst_v.at[j]], add=True)

        npair = nchunk_w // 2
        tail = nchunk_w - 2 * npair
        gather(0, 0, sem_a)

        def body(jj, _):
            j0 = jj * 2
            gather(j0 + 1, 1, sem_b)
            gwait(j0, 0, sem_a)
            scat(j0, 0)

            @pl.when(j0 + 2 < nchunk_w)
            def _():
                gather(j0 + 2, 0, sem_a)

            gwait(j0 + 1, 1, sem_b)
            scat(j0 + 1, 1)
            return 0

        lax.fori_loop(0, npair, body, 0)
        if tail:
            gwait(nchunk_w - 1, 0, sem_a)
            scat(nchunk_w - 1, 0)
        plsc.subcore_barrier()

        for kk in range(nzcopy):
            r = row0 + kk * zrows
            pltpu.sync_copy(acc.at[pl.ds(r, zrows)], out_hbm.at[c, pl.ds(r, zrows)])

    return k(weighted, src2d, dst2d)


def kernel(src_feats, cj, ci, edge_index):
    n, d = src_feats.shape
    e = edge_index.shape[1]
    epw = e // NW
    assert epw * NW == e
    chunk = _pick_chunk(epw)
    nchunk_w = epw // chunk
    zrows = n // NS
    for z in (25, 16, 8, 5, 4, 2, 1):
        if (n // NS) % z == 0:
            zrows = z
            break

    br = 1000 if n % 1000 == 0 else 8

    weighted = pl.pallas_call(
        _mul_rows_kernel,
        out_shape=jax.ShapeDtypeStruct((n, d), jnp.float32),
        grid=(n // br,),
        in_specs=[
            pl.BlockSpec((br, d), lambda i: (i, 0)),
            pl.BlockSpec((br, 1), lambda i: (i, 0)),
        ],
        out_specs=pl.BlockSpec((br, d), lambda i: (i, 0)),
    )(src_feats, cj)

    src2d = edge_index[0].reshape(e // chunk, chunk)
    dst2d = edge_index[1].reshape(e // chunk, chunk)
    partial = _sc_aggregate(weighted, src2d, dst2d, n, d, chunk, nchunk_w, zrows)

    out = pl.pallas_call(
        _combine_kernel,
        out_shape=jax.ShapeDtypeStruct((n, d), jnp.float32),
        grid=(n // br,),
        in_specs=[
            pl.BlockSpec((NC, br, d), lambda i: (0, i, 0)),
            pl.BlockSpec((br, 1), lambda i: (i, 0)),
        ],
        out_specs=pl.BlockSpec((br, d), lambda i: (i, 0)),
    )(partial, ci)
    return out

# --- scband reference (transcript-rebuilt; emitter-appended) ---
"""Pipeline reference for scband-light-graph-conv-43198781063349 (READ-ONLY COPY).

The authoritative reference and input builder live on the scoring server;
editing this copy changes nothing except your own understanding.
"""

import jax, jax.numpy as jnp
import numpy as np

N, D, E = 10000, 128, 320000

def setup_inputs(seed: int = 0) -> dict:
    key = jax.random.key(seed)
    k1, k2, k3, k4 = jax.random.split(key, 4)
    src_feats = jax.random.normal(k1, (N, D), dtype=jnp.float32)
    # cj / ci are degree-normalization coefficients stored on src/dst nodes (positive scalars per node)
    cj = jax.random.uniform(k2, (N, 1), dtype=jnp.float32)
    ci = jax.random.uniform(k3, (N, 1), dtype=jnp.float32)
    edge_index = jax.random.randint(k4, (2, E), 0, N, dtype=jnp.int32)
    return {"src_feats": src_feats, "cj": cj, "ci": ci, "edge_index": edge_index}

def reference(src_feats, cj, ci, edge_index):
    # Dropout is identity in eval mode; faithful eval-mode translation.
    # weighted_feats = src_feats * cj  (elementwise, cj broadcast over feature dim)
    weighted = src_feats * cj
    src = edge_index[0]
    dst = edge_index[1]
    # update_all(copy_u('h','m'), sum('m','out')): gather src features per edge, scatter-add to dst
    msgs = jnp.take(weighted, src, axis=0)
    agg = jax.ops.segment_sum(msgs, dst, num_segments=N)
    # out = dstdata['out'] * ci
    out = agg * ci
    return out

if __name__ == "__main__":
    import jax
    _d = setup_inputs()
    print(jax.jit(kernel)(*tuple(_d.values())))

</pallas_src>

<mosaic_0001>
#map = affine_map<(d0, d1) -> (0, 0)>
#map1 = affine_map<(d0, d1) -> (0, 0, 0)>
module attributes {stable_mosaic.version = 14 : i64} {
  func.func @k(%arg0: i32, %arg1: i32, %arg2: memref<10000x128xf32, #tpu.memory_space<hbm>>, %arg3: memref<4000x80xi32, #tpu.memory_space<hbm>>, %arg4: memref<4000x80xi32, #tpu.memory_space<hbm>>, %arg5: memref<2x10000x128xf32, #tpu.memory_space<hbm>>, %arg6: memref<125x80xi32, #tpu.memory_space<vmem>>, %arg7: memref<125x80xi32, #tpu.memory_space<vmem>>, %arg8: memref<2x80x128xf32, #tpu.memory_space<vmem>>, %arg9: memref<25x128xf32, #tpu.memory_space<vmem>>, %arg10: memref<10000x128xf32, #tpu.memory_space<vmem_shared>>, %arg11: memref<!tpu.dma_semaphore, #tpu.memory_space<semaphore_mem>>, %arg12: memref<!tpu.dma_semaphore, #tpu.memory_space<semaphore_mem>>) attributes {dimension_semantics = [#tpu.dimension_semantics<core_parallel>, #tpu.dimension_semantics<subcore_parallel>], iteration_bounds = array<i64: 2, 16>, scalar_prefetch = 0 : i64, scratch_operands = 7 : i64, tpu.core_type = #tpu.core_type<sc_vector_subcore>, window_params = [{transform_indices = #map}, {transform_indices = #map}, {transform_indices = #map}, {transform_indices = #map1}]} {
    %mul3A = arith.constant 16 : i32
    %mul3A_0 = arith.muli %arg0, %mul3A : i32
    %add3A = arith.addi %mul3A_0, %arg1 : i32
    %mul3A_1 = arith.constant 125 : i32
    %mul3A_2 = arith.muli %add3A, %mul3A_1 : i32
    %mul3A_3 = arith.constant 625 : i32
    %mul3A_4 = arith.muli %arg1, %mul3A_3 : i32
    "tpu.region"() ({
      %run_scoped3A_143 = tpu.sem_alloc : memref<!tpu.dma_semaphore, #tpu.memory_space<semaphore_mem>>
      %dma_start3A_144 = arith.constant 0 : i32
      %dma_start3A_145 = tpu.memref_slice %arg3[%mul3A_2, %dma_start3A_144] : memref<4000x80xi32, #tpu.memory_space<hbm>> -> memref<125x80xi32, #tpu.memory_space<hbm>>
      %dma_start3A_146 = arith.constant 0 : i32
      %dma_start3A_147 = tpu.memref_slice %arg3[%mul3A_2, %dma_start3A_146] : memref<4000x80xi32, #tpu.memory_space<hbm>> -> memref<125x80xi32, #tpu.memory_space<hbm>>
      tpu.enqueue_dma source(%dma_start3A_147 : memref<125x80xi32, #tpu.memory_space<hbm>>) target(%arg6 : memref<125x80xi32, #tpu.memory_space<vmem>>) target_semaphore(%run_scoped3A_143 : memref<!tpu.dma_semaphore, #tpu.memory_space<semaphore_mem>>)
      %dma_wait3A_148 = arith.constant 0 : i32
      %dma_wait3A_149 = tpu.memref_slice %arg3[%mul3A_2, %dma_wait3A_148] : memref<4000x80xi32, #tpu.memory_space<hbm>> -> memref<125x80xi32, #tpu.memory_space<hbm>>
      %dma_wait3A_150 = arith.constant 0 : i32
      %dma_wait3A_151 = tpu.memref_slice %arg3[%mul3A_2, %dma_wait3A_150] : memref<4000x80xi32, #tpu.memory_space<hbm>> -> memref<125x80xi32, #tpu.memory_space<hbm>>
      tpu.wait_dma2 semaphore(%run_scoped3A_143 : memref<!tpu.dma_semaphore, #tpu.memory_space<semaphore_mem>>) src(%dma_wait3A_151 : memref<125x80xi32, #tpu.memory_space<hbm>>) dst(%arg6 : memref<125x80xi32, #tpu.memory_space<vmem>>)
      tpu.yield
    }) : () -> ()
    "tpu.region"() ({
      %run_scoped3A_143 = tpu.sem_alloc : memref<!tpu.dma_semaphore, #tpu.memory_space<semaphore_mem>>
      %dma_start3A_144 = arith.constant 0 : i32
      %dma_start3A_145 = tpu.memref_slice %arg4[%mul3A_2, %dma_start3A_144] : memref<4000x80xi32, #tpu.memory_space<hbm>> -> memref<125x80xi32, #tpu.memory_space<hbm>>
      %dma_start3A_146 = arith.constant 0 : i32
      %dma_start3A_147 = tpu.memref_slice %arg4[%mul3A_2, %dma_start3A_146] : memref<4000x80xi32, #tpu.memory_space<hbm>> -> memref<125x80xi32, #tpu.memory_space<hbm>>
      tpu.enqueue_dma source(%dma_start3A_147 : memref<125x80xi32, #tpu.memory_space<hbm>>) target(%arg7 : memref<125x80xi32, #tpu.memory_space<vmem>>) target_semaphore(%run_scoped3A_143 : memref<!tpu.dma_semaphore, #tpu.memory_space<semaphore_mem>>)
      %dma_wait3A_148 = arith.constant 0 : i32
      %dma_wait3A_149 = tpu.memref_slice %arg4[%mul3A_2, %dma_wait3A_148] : memref<4000x80xi32, #tpu.memory_space<hbm>> -> memref<125x80xi32, #tpu.memory_space<hbm>>
      %dma_wait3A_150 = arith.constant 0 : i32
      %dma_wait3A_151 = tpu.memref_slice %arg4[%mul3A_2, %dma_wait3A_150] : memref<4000x80xi32, #tpu.memory_space<hbm>> -> memref<125x80xi32, #tpu.memory_space<hbm>>
      tpu.wait_dma2 semaphore(%run_scoped3A_143 : memref<!tpu.dma_semaphore, #tpu.memory_space<semaphore_mem>>) src(%dma_wait3A_151 : memref<125x80xi32, #tpu.memory_space<hbm>>) dst(%arg7 : memref<125x80xi32, #tpu.memory_space<vmem>>)
      tpu.yield
    }) : () -> ()
    %broadcast_in_dim3A = arith.constant 0.000000e+00 : f32
    %broadcast_in_dim3A_5 = vector.broadcast %broadcast_in_dim3A : f32 to vector<16xf32>
    %scan3A = arith.constant 0 : i32
    %scan3A_6 = arith.constant 0 : i32
    %scan3A_7 = arith.constant 25 : i32
    %scan3A_8 = arith.addi %scan3A_6, %scan3A_7 : i32
    %scan3A_9 = arith.constant 1 : i32
    %scan3A_10 = scf.for %scan3A_143 = %scan3A_6 to %scan3A_8 step %scan3A_9 iter_args(%scan3A_144 = %scan3A) -> (i32)  : i32 {
      %swap3A = arith.index_cast %scan3A_143 : i32 to index
      %swap3A_145 = arith.constant 0 : index
      %swap3A_146 = tpu.vector_load %arg9[%swap3A, %swap3A_145] {strides = array<i32>} : memref<25x128xf32, #tpu.memory_space<vmem>>, vector<1x16xf32>,
      %swap3A_147 = vector.shape_cast %swap3A_146 : vector<1x16xf32> to vector<16xf32>
      %swap3A_148 = vector.shape_cast %broadcast_in_dim3A_5 : vector<16xf32> to vector<1x16xf32>
      tpu.vector_store %arg9[%swap3A, %swap3A_145], %swap3A_148 {strides = array<i32>} : memref<25x128xf32, #tpu.memory_space<vmem>>, vector<1x16xf32>,
      %swap3A_149 = arith.index_cast %scan3A_143 : i32 to index
      %swap3A_150 = arith.constant 16 : index
      %swap3A_151 = tpu.vector_load %arg9[%swap3A_149, %swap3A_150] {strides = array<i32>} : memref<25x128xf32, #tpu.memory_space<vmem>>, vector<1x16xf32>,
      %swap3A_152 = vector.shape_cast %swap3A_151 : vector<1x16xf32> to vector<16xf32>
      %swap3A_153 = vector.shape_cast %broadcast_in_dim3A_5 : vector<16xf32> to vector<1x16xf32>
      tpu.vector_store %arg9[%swap3A_149, %swap3A_150], %swap3A_153 {strides = array<i32>} : memref<25x128xf32, #tpu.memory_space<vmem>>, vector<1x16xf32>,
      %swap3A_154 = arith.index_cast %scan3A_143 : i32 to index
      %swap3A_155 = arith.constant 32 : index
      %swap3A_156 = tpu.vector_load %arg9[%swap3A_154, %swap3A_155] {strides = array<i32>} : memref<25x128xf32, #tpu.memory_space<vmem>>, vector<1x16xf32>,
      %swap3A_157 = vector.shape_cast %swap3A_156 : vector<1x16xf32> to vector<16xf32>
      %swap3A_158 = vector.shape_cast %broadcast_in_dim3A_5 : vector<16xf32> to vector<1x16xf32>
      tpu.vector_store %arg9[%swap3A_154, %swap3A_155], %swap3A_158 {strides = array<i32>} : memref<25x128xf32, #tpu.memory_space<vmem>>, vector<1x16xf32>,
      %swap3A_159 = arith.index_cast %scan3A_143 : i32 to index
      %swap3A_160 = arith.constant 48 : index
      %swap3A_161 = tpu.vector_load %arg9[%swap3A_159, %swap3A_160] {strides = array<i32>} : memref<25x128xf32, #tpu.memory_space<vmem>>, vector<1x16xf32>,
      %swap3A_162 = vector.shape_cast %swap3A_161 : vector<1x16xf32> to vector<16xf32>
      %swap3A_163 = vector.shape_cast %broadcast_in_dim3A_5 : vector<16xf32> to vector<1x16xf32>
      tpu.vector_store %arg9[%swap3A_159, %swap3A_160], %swap3A_163 {strides = array<i32>} : memref<25x128xf32, #tpu.memory_space<vmem>>, vector<1x16xf32>,
      %swap3A_164 = arith.index_cast %scan3A_143 : i32 to index
      %swap3A_165 = arith.constant 64 : index
      %swap3A_166 = tpu.vector_load %arg9[%swap3A_164, %swap3A_165] {strides = array<i32>} : memref<25x128xf32, #tpu.memory_space<vmem>>, vector<1x16xf32>,
      %swap3A_167 = vector.shape_cast %swap3A_166 : vector<1x16xf32> to vector<16xf32>
      %swap3A_168 = vector.shape_cast %broadcast_in_dim3A_5 : vector<16xf32> to vector<1x16xf32>
      tpu.vector_store %arg9[%swap3A_164, %swap3A_165], %swap3A_168 {strides = array<i32>} : memref<25x128xf32, #tpu.memory_space<vmem>>, vector<1x16xf32>,
      %swap3A_169 = arith.index_cast %scan3A_143 : i32 to index
      %swap3A_170 = arith.constant 80 : index
      %swap3A_171 = tpu.vector_load %arg9[%swap3A_169, %swap3A_170] {strides = array<i32>} : memref<25x128xf32, #tpu.memory_space<vmem>>, vector<1x16xf32>,
      %swap3A_172 = vector.shape_cast %swap3A_171 : vector<1x16xf32> to vector<16xf32>
      %swap3A_173 = vector.shape_cast %broadcast_in_dim3A_5 : vector<16xf32> to vector<1x16xf32>
      tpu.vector_store %arg9[%swap3A_169, %swap3A_170], %swap3A_173 {strides = array<i32>} : memref<25x128xf32, #tpu.memory_space<vmem>>, vector<1x16xf32>,
      %swap3A_174 = arith.index_cast %scan3A_143 : i32 to index
      %swap3A_175 = arith.constant 96 : index
      %swap3A_176 = tpu.vector_load %arg9[%swap3A_174, %swap3A_175] {strides = array<i32>} : memref<25x128xf32, #tpu.memory_space<vmem>>, vector<1x16xf32>,
      %swap3A_177 = vector.shape_cast %swap3A_176 : vector<1x16xf32> to vector<16xf32>
      %swap3A_178 = vector.shape_cast %broadcast_in_dim3A_5 : vector<16xf32> to vector<1x16xf32>
      tpu.vector_store %arg9[%swap3A_174, %swap3A_175], %swap3A_178 {strides = array<i32>} : memref<25x128xf32, #tpu.memory_space<vmem>>, vector<1x16xf32>,
      %swap3A_179 = arith.index_cast %scan3A_143 : i32 to index
      %swap3A_180 = arith.constant 112 : index
      %swap3A_181 = tpu.vector_load %arg9[%swap3A_179, %swap3A_180] {strides = array<i32>} : memref<25x128xf32, #tpu.memory_space<vmem>>, vector<1x16xf32>,
      %swap3A_182 = vector.shape_cast %swap3A_181 : vector<1x16xf32> to vector<16xf32>
      %swap3A_183 = vector.shape_cast %broadcast_in_dim3A_5 : vector<16xf32> to vector<1x16xf32>
      tpu.vector_store %arg9[%swap3A_179, %swap3A_180], %swap3A_183 {strides = array<i32>} : memref<25x128xf32, #tpu.memory_space<vmem>>, vector<1x16xf32>,
      %scan3A_184 = arith.constant 0 : i32
      scf.yield %scan3A_184 : i32
    }
    %scan3A_11 = arith.constant 25 : i32
    %add3A_12 = arith.constant 0 : i32
    %add3A_13 = arith.addi %mul3A_4, %add3A_12 : i32
    "tpu.region"() ({
      %run_scoped3A_143 = tpu.sem_alloc : memref<!tpu.dma_semaphore, #tpu.memory_space<semaphore_mem>>
      %dma_start3A_144 = arith.constant 0 : i32
      %dma_start3A_145 = tpu.memref_slice %arg10[%add3A_13, %dma_start3A_144] : memref<10000x128xf32, #tpu.memory_space<vmem_shared>> -> memref<25x128xf32, #tpu.memory_space<vmem_shared>>
      %dma_start3A_146 = arith.constant 0 : i32
      %dma_start3A_147 = tpu.memref_slice %arg10[%add3A_13, %dma_start3A_146] : memref<10000x128xf32, #tpu.memory_space<vmem_shared>> -> memref<25x128xf32, #tpu.memory_space<vmem_shared>>
      tpu.enqueue_dma source(%arg9 : memref<25x128xf32, #tpu.memory_space<vmem>>) target(%dma_start3A_147 : memref<25x128xf32, #tpu.memory_space<vmem_shared>>) target_semaphore(%run_scoped3A_143 : memref<!tpu.dma_semaphore, #tpu.memory_space<semaphore_mem>>)
      %dma_wait3A_148 = arith.constant 0 : i32
      %dma_wait3A_149 = tpu.memref_slice %arg10[%add3A_13, %dma_wait3A_148] : memref<10000x128xf32, #tpu.memory_space<vmem_shared>> -> memref<25x128xf32, #tpu.memory_space<vmem_shared>>
      %dma_wait3A_150 = arith.constant 0 : i32
      %dma_wait3A_151 = tpu.memref_slice %arg10[%add3A_13, %dma_wait3A_150] : memref<10000x128xf32, #tpu.memory_space<vmem_shared>> -> memref<25x128xf32, #tpu.memory_space<vmem_shared>>
      tpu.wait_dma2 semaphore(%run_scoped3A_143 : memref<!tpu.dma_semaphore, #tpu.memory_space<semaphore_mem>>) src(%arg9 : memref<25x128xf32, #tpu.memory_space<vmem>>) dst(%dma_wait3A_151 : memref<25x128xf32, #tpu.memory_space<vmem_shared>>)
      tpu.yield
    }) : () -> ()
    %add3A_14 = arith.constant 25 : i32
    %add3A_15 = arith.addi %mul3A_4, %add3A_14 : i32
    "tpu.region"() ({
      %run_scoped3A_143 = tpu.sem_alloc : memref<!tpu.dma_semaphore, #tpu.memory_space<semaphore_mem>>
      %dma_start3A_144 = arith.constant 0 : i32
      %dma_start3A_145 = tpu.memref_slice %arg10[%add3A_15, %dma_start3A_144] : memref<10000x128xf32, #tpu.memory_space<vmem_shared>> -> memref<25x128xf32, #tpu.memory_space<vmem_shared>>
      %dma_start3A_146 = arith.constant 0 : i32
      %dma_start3A_147 = tpu.memref_slice %arg10[%add3A_15, %dma_start3A_146] : memref<10000x128xf32, #tpu.memory_space<vmem_shared>> -> memref<25x128xf32, #tpu.memory_space<vmem_shared>>
      tpu.enqueue_dma source(%arg9 : memref<25x128xf32, #tpu.memory_space<vmem>>) target(%dma_start3A_147 : memref<25x128xf32, #tpu.memory_space<vmem_shared>>) target_semaphore(%run_scoped3A_143 : memref<!tpu.dma_semaphore, #tpu.memory_space<semaphore_mem>>)
      %dma_wait3A_148 = arith.constant 0 : i32
      %dma_wait3A_149 = tpu.memref_slice %arg10[%add3A_15, %dma_wait3A_148] : memref<10000x128xf32, #tpu.memory_space<vmem_shared>> -> memref<25x128xf32, #tpu.memory_space<vmem_shared>>
      %dma_wait3A_150 = arith.constant 0 : i32
      %dma_wait3A_151 = tpu.memref_slice %arg10[%add3A_15, %dma_wait3A_150] : memref<10000x128xf32, #tpu.memory_space<vmem_shared>> -> memref<25x128xf32, #tpu.memory_space<vmem_shared>>
      tpu.wait_dma2 semaphore(%run_scoped3A_143 : memref<!tpu.dma_semaphore, #tpu.memory_space<semaphore_mem>>) src(%arg9 : memref<25x128xf32, #tpu.memory_space<vmem>>) dst(%dma_wait3A_151 : memref<25x128xf32, #tpu.memory_space<vmem_shared>>)
      tpu.yield
    }) : () -> ()
    %add3A_16 = arith.constant 50 : i32
    %add3A_17 = arith.addi %mul3A_4, %add3A_16 : i32
    "tpu.region"() ({
      %run_scoped3A_143 = tpu.sem_alloc : memref<!tpu.dma_semaphore, #tpu.memory_space<semaphore_mem>>
      %dma_start3A_144 = arith.constant 0 : i32
      %dma_start3A_145 = tpu.memref_slice %arg10[%add3A_17, %dma_start3A_144] : memref<10000x128xf32, #tpu.memory_space<vmem_shared>> -> memref<25x128xf32, #tpu.memory_space<vmem_shared>>
      %dma_start3A_146 = arith.constant 0 : i32
      %dma_start3A_147 = tpu.memref_slice %arg10[%add3A_17, %dma_start3A_146] : memref<10000x128xf32, #tpu.memory_space<vmem_shared>> -> memref<25x128xf32, #tpu.memory_space<vmem_shared>>
      tpu.enqueue_dma source(%arg9 : memref<25x128xf32, #tpu.memory_space<vmem>>) target(%dma_start3A_147 : memref<25x128xf32, #tpu.memory_space<vmem_shared>>) target_semaphore(%run_scoped3A_143 : memref<!tpu.dma_semaphore, #tpu.memory_space<semaphore_mem>>)
      %dma_wait3A_148 = arith.constant 0 : i32
      %dma_wait3A_149 = tpu.memref_slice %arg10[%add3A_17, %dma_wait3A_148] : memref<10000x128xf32, #tpu.memory_space<vmem_shared>> -> memref<25x128xf32, #tpu.memory_space<vmem_shared>>
      %dma_wait3A_150 = arith.constant 0 : i32
      %dma_wait3A_151 = tpu.memref_slice %arg10[%add3A_17, %dma_wait3A_150] : memref<10000x128xf32, #tpu.memory_space<vmem_shared>> -> memref<25x128xf32, #tpu.memory_space<vmem_shared>>
      tpu.wait_dma2 semaphore(%run_scoped3A_143 : memref<!tpu.dma_semaphore, #tpu.memory_space<semaphore_mem>>) src(%arg9 : memref<25x128xf32, #tpu.memory_space<vmem>>) dst(%dma_wait3A_151 : memref<25x128xf32, #tpu.memory_space<vmem_shared>>)
      tpu.yield
    }) : () -> ()
    %add3A_18 = arith.constant 75 : i32
    %add3A_19 = arith.addi %mul3A_4, %add3A_18 : i32
    "tpu.region"() ({
      %run_scoped3A_143 = tpu.sem_alloc : memref<!tpu.dma_semaphore, #tpu.memory_space<semaphore_mem>>
      %dma_start3A_144 = arith.constant 0 : i32
      %dma_start3A_145 = tpu.memref_slice %arg10[%add3A_19, %dma_start3A_144] : memref<10000x128xf32, #tpu.memory_space<vmem_shared>> -> memref<25x128xf32, #tpu.memory_space<vmem_shared>>
      %dma_start3A_146 = arith.constant 0 : i32
      %dma_start3A_147 = tpu.memref_slice %arg10[%add3A_19, %dma_start3A_146] : memref<10000x128xf32, #tpu.memory_space<vmem_shared>> -> memref<25x128xf32, #tpu.memory_space<vmem_shared>>
      tpu.enqueue_dma source(%arg9 : memref<25x128xf32, #tpu.memory_space<vmem>>) target(%dma_start3A_147 : memref<25x128xf32, #tpu.memory_space<vmem_shared>>) target_semaphore(%run_scoped3A_143 : memref<!tpu.dma_semaphore, #tpu.memory_space<semaphore_mem>>)
      %dma_wait3A_148 = arith.constant 0 : i32
      %dma_wait3A_149 = tpu.memref_slice %arg10[%add3A_19, %dma_wait3A_148] : memref<10000x128xf32, #tpu.memory_space<vmem_shared>> -> memref<25x128xf32, #tpu.memory_space<vmem_shared>>
      %dma_wait3A_150 = arith.constant 0 : i32
      %dma_wait3A_151 = tpu.memref_slice %arg10[%add3A_19, %dma_wait3A_150] : memref<10000x128xf32, #tpu.memory_space<vmem_shared>> -> memref<25x128xf32, #tpu.memory_space<vmem_shared>>
      tpu.wait_dma2 semaphore(%run_scoped3A_143 : memref<!tpu.dma_semaphore, #tpu.memory_space<semaphore_mem>>) src(%arg9 : memref<25x128xf32, #tpu.memory_space<vmem>>) dst(%dma_wait3A_151 : memref<25x128xf32, #tpu.memory_space<vmem_shared>>)
      tpu.yield
    }) : () -> ()
    %add3A_20 = arith.constant 100 : i32
    %add3A_21 = arith.addi %mul3A_4, %add3A_20 : i32
    "tpu.region"() ({
      %run_scoped3A_143 = tpu.sem_alloc : memref<!tpu.dma_semaphore, #tpu.memory_space<semaphore_mem>>
      %dma_start3A_144 = arith.constant 0 : i32
      %dma_start3A_145 = tpu.memref_slice %arg10[%add3A_21, %dma_start3A_144] : memref<10000x128xf32, #tpu.memory_space<vmem_shared>> -> memref<25x128xf32, #tpu.memory_space<vmem_shared>>
      %dma_start3A_146 = arith.constant 0 : i32
      %dma_start3A_147 = tpu.memref_slice %arg10[%add3A_21, %dma_start3A_146] : memref<10000x128xf32, #tpu.memory_space<vmem_shared>> -> memref<25x128xf32, #tpu.memory_space<vmem_shared>>
      tpu.enqueue_dma source(%arg9 : memref<25x128xf32, #tpu.memory_space<vmem>>) target(%dma_start3A_147 : memref<25x128xf32, #tpu.memory_space<vmem_shared>>) target_semaphore(%run_scoped3A_143 : memref<!tpu.dma_semaphore, #tpu.memory_space<semaphore_mem>>)
      %dma_wait3A_148 = arith.constant 0 : i32
      %dma_wait3A_149 = tpu.memref_slice %arg10[%add3A_21, %dma_wait3A_148] : memref<10000x128xf32, #tpu.memory_space<vmem_shared>> -> memref<25x128xf32, #tpu.memory_space<vmem_shared>>
      %dma_wait3A_150 = arith.constant 0 : i32
      %dma_wait3A_151 = tpu.memref_slice %arg10[%add3A_21, %dma_wait3A_150] : memref<10000x128xf32, #tpu.memory_space<vmem_shared>> -> memref<25x128xf32, #tpu.memory_space<vmem_shared>>
      tpu.wait_dma2 semaphore(%run_scoped3A_143 : memref<!tpu.dma_semaphore, #tpu.memory_space<semaphore_mem>>) src(%arg9 : memref<25x128xf32, #tpu.memory_space<vmem>>) dst(%dma_wait3A_151 : memref<25x128xf32, #tpu.memory_space<vmem_shared>>)
      tpu.yield
    }) : () -> ()
    %add3A_22 = arith.constant 125 : i32
    %add3A_23 = arith.addi %mul3A_4, %add3A_22 : i32
    "tpu.region"() ({
      %run_scoped3A_143 = tpu.sem_alloc : memref<!tpu.dma_semaphore, #tpu.memory_space<semaphore_mem>>
      %dma_start3A_144 = arith.constant 0 : i32
      %dma_start3A_145 = tpu.memref_slice %arg10[%add3A_23, %dma_start3A_144] : memref<10000x128xf32, #tpu.memory_space<vmem_shared>> -> memref<25x128xf32, #tpu.memory_space<vmem_shared>>
      %dma_start3A_146 = arith.constant 0 : i32
      %dma_start3A_147 = tpu.memref_slice %arg10[%add3A_23, %dma_start3A_146] : memref<10000x128xf32, #tpu.memory_space<vmem_shared>> -> memref<25x128xf32, #tpu.memory_space<vmem_shared>>
      tpu.enqueue_dma source(%arg9 : memref<25x128xf32, #tpu.memory_space<vmem>>) target(%dma_start3A_147 : memref<25x128xf32, #tpu.memory_space<vmem_shared>>) target_semaphore(%run_scoped3A_143 : memref<!tpu.dma_semaphore, #tpu.memory_space<semaphore_mem>>)
      %dma_wait3A_148 = arith.constant 0 : i32
      %dma_wait3A_149 = tpu.memref_slice %arg10[%add3A_23, %dma_wait3A_148] : memref<10000x128xf32, #tpu.memory_space<vmem_shared>> -> memref<25x128xf32, #tpu.memory_space<vmem_shared>>
      %dma_wait3A_150 = arith.constant 0 : i32
      %dma_wait3A_151 = tpu.memref_slice %arg10[%add3A_23, %dma_wait3A_150] : memref<10000x128xf32, #tpu.memory_space<vmem_shared>> -> memref<25x128xf32, #tpu.memory_space<vmem_shared>>
      tpu.wait_dma2 semaphore(%run_scoped3A_143 : memref<!tpu.dma_semaphore, #tpu.memory_space<semaphore_mem>>) src(%arg9 : memref<25x128xf32, #tpu.memory_space<vmem>>) dst(%dma_wait3A_151 : memref<25x128xf32, #tpu.memory_space<vmem_shared>>)
      tpu.yield
    }) : () -> ()
    %add3A_24 = arith.constant 150 : i32
    %add3A_25 = arith.addi %mul3A_4, %add3A_24 : i32
    "tpu.region"() ({
      %run_scoped3A_143 = tpu.sem_alloc : memref<!tpu.dma_semaphore, #tpu.memory_space<semaphore_mem>>
      %dma_start3A_144 = arith.constant 0 : i32
      %dma_start3A_145 = tpu.memref_slice %arg10[%add3A_25, %dma_start3A_144] : memref<10000x128xf32, #tpu.memory_space<vmem_shared>> -> memref<25x128xf32, #tpu.memory_space<vmem_shared>>
      %dma_start3A_146 = arith.constant 0 : i32
      %dma_start3A_147 = tpu.memref_slice %arg10[%add3A_25, %dma_start3A_146] : memref<10000x128xf32, #tpu.memory_space<vmem_shared>> -> memref<25x128xf32, #tpu.memory_space<vmem_shared>>
      tpu.enqueue_dma source(%arg9 : memref<25x128xf32, #tpu.memory_space<vmem>>) target(%dma_start3A_147 : memref<25x128xf32, #tpu.memory_space<vmem_shared>>) target_semaphore(%run_scoped3A_143 : memref<!tpu.dma_semaphore, #tpu.memory_space<semaphore_mem>>)
      %dma_wait3A_148 = arith.constant 0 : i32
      %dma_wait3A_149 = tpu.memref_slice %arg10[%add3A_25, %dma_wait3A_148] : memref<10000x128xf32, #tpu.memory_space<vmem_shared>> -> memref<25x128xf32, #tpu.memory_space<vmem_shared>>
      %dma_wait3A_150 = arith.constant 0 : i32
      %dma_wait3A_151 = tpu.memref_slice %arg10[%add3A_25, %dma_wait3A_150] : memref<10000x128xf32, #tpu.memory_space<vmem_shared>> -> memref<25x128xf32, #tpu.memory_space<vmem_shared>>
      tpu.wait_dma2 semaphore(%run_scoped3A_143 : memref<!tpu.dma_semaphore, #tpu.memory_space<semaphore_mem>>) src(%arg9 : memref<25x128xf32, #tpu.memory_space<vmem>>) dst(%dma_wait3A_151 : memref<25x128xf32, #tpu.memory_space<vmem_shared>>)
      tpu.yield
    }) : () -> ()
    %add3A_26 = arith.constant 175 : i32
    %add3A_27 = arith.addi %mul3A_4, %add3A_26 : i32
    "tpu.region"() ({
      %run_scoped3A_143 = tpu.sem_alloc : memref<!tpu.dma_semaphore, #tpu.memory_space<semaphore_mem>>
      %dma_start3A_144 = arith.constant 0 : i32
      %dma_start3A_145 = tpu.memref_slice %arg10[%add3A_27, %dma_start3A_144] : memref<10000x128xf32, #tpu.memory_space<vmem_shared>> -> memref<25x128xf32, #tpu.memory_space<vmem_shared>>
      %dma_start3A_146 = arith.constant 0 : i32
      %dma_start3A_147 = tpu.memref_slice %arg10[%add3A_27, %dma_start3A_146] : memref<10000x128xf32, #tpu.memory_space<vmem_shared>> -> memref<25x128xf32, #tpu.memory_space<vmem_shared>>
      tpu.enqueue_dma source(%arg9 : memref<25x128xf32, #tpu.memory_space<vmem>>) target(%dma_start3A_147 : memref<25x128xf32, #tpu.memory_space<vmem_shared>>) target_semaphore(%run_scoped3A_143 : memref<!tpu.dma_semaphore, #tpu.memory_space<semaphore_mem>>)
      %dma_wait3A_148 = arith.constant 0 : i32
      %dma_wait3A_149 = tpu.memref_slice %arg10[%add3A_27, %dma_wait3A_148] : memref<10000x128xf32, #tpu.memory_space<vmem_shared>> -> memref<25x128xf32, #tpu.memory_space<vmem_shared>>
      %dma_wait3A_150 = arith.constant 0 : i32
      %dma_wait3A_151 = tpu.memref_slice %arg10[%add3A_27, %dma_wait3A_150] : memref<10000x128xf32, #tpu.memory_space<vmem_shared>> -> memref<25x128xf32, #tpu.memory_space<vmem_shared>>
      tpu.wait_dma2 semaphore(%run_scoped3A_143 : memref<!tpu.dma_semaphore, #tpu.memory_space<semaphore_mem>>) src(%arg9 : memref<25x128xf32, #tpu.memory_space<vmem>>) dst(%dma_wait3A_151 : memref<25x128xf32, #tpu.memory_space<vmem_shared>>)
      tpu.yield
    }) : () -> ()
    %add3A_28 = arith.constant 200 : i32
    %add3A_29 = arith.addi %mul3A_4, %add3A_28 : i32
    "tpu.region"() ({
      %run_scoped3A_143 = tpu.sem_alloc : memref<!tpu.dma_semaphore, #tpu.memory_space<semaphore_mem>>
      %dma_start3A_144 = arith.constant 0 : i32
      %dma_start3A_145 = tpu.memref_slice %arg10[%add3A_29, %dma_start3A_144] : memref<10000x128xf32, #tpu.memory_space<vmem_shared>> -> memref<25x128xf32, #tpu.memory_space<vmem_shared>>
      %dma_start3A_146 = arith.constant 0 : i32
      %dma_start3A_147 = tpu.memref_slice %arg10[%add3A_29, %dma_start3A_146] : memref<10000x128xf32, #tpu.memory_space<vmem_shared>> -> memref<25x128xf32, #tpu.memory_space<vmem_shared>>
      tpu.enqueue_dma source(%arg9 : memref<25x128xf32, #tpu.memory_space<vmem>>) target(%dma_start3A_147 : memref<25x128xf32, #tpu.memory_space<vmem_shared>>) target_semaphore(%run_scoped3A_143 : memref<!tpu.dma_semaphore, #tpu.memory_space<semaphore_mem>>)
      %dma_wait3A_148 = arith.constant 0 : i32
      %dma_wait3A_149 = tpu.memref_slice %arg10[%add3A_29, %dma_wait3A_148] : memref<10000x128xf32, #tpu.memory_space<vmem_shared>> -> memref<25x128xf32, #tpu.memory_space<vmem_shared>>
      %dma_wait3A_150 = arith.constant 0 : i32
      %dma_wait3A_151 = tpu.memref_slice %arg10[%add3A_29, %dma_wait3A_150] : memref<10000x128xf32, #tpu.memory_space<vmem_shared>> -> memref<25x128xf32, #tpu.memory_space<vmem_shared>>
      tpu.wait_dma2 semaphore(%run_scoped3A_143 : memref<!tpu.dma_semaphore, #tpu.memory_space<semaphore_mem>>) src(%arg9 : memref<25x128xf32, #tpu.memory_space<vmem>>) dst(%dma_wait3A_151 : memref<25x128xf32, #tpu.memory_space<vmem_shared>>)
      tpu.yield
    }) : () -> ()
    %add3A_30 = arith.constant 225 : i32
    %add3A_31 = arith.addi %mul3A_4, %add3A_30 : i32
    "tpu.region"() ({
      %run_scoped3A_143 = tpu.sem_alloc : memref<!tpu.dma_semaphore, #tpu.memory_space<semaphore_mem>>
      %dma_start3A_144 = arith.constant 0 : i32
      %dma_start3A_145 = tpu.memref_slice %arg10[%add3A_31, %dma_start3A_144] : memref<10000x128xf32, #tpu.memory_space<vmem_shared>> -> memref<25x128xf32, #tpu.memory_space<vmem_shared>>
      %dma_start3A_146 = arith.constant 0 : i32
      %dma_start3A_147 = tpu.memref_slice %arg10[%add3A_31, %dma_start3A_146] : memref<10000x128xf32, #tpu.memory_space<vmem_shared>> -> memref<25x128xf32, #tpu.memory_space<vmem_shared>>
      tpu.enqueue_dma source(%arg9 : memref<25x128xf32, #tpu.memory_space<vmem>>) target(%dma_start3A_147 : memref<25x128xf32, #tpu.memory_space<vmem_shared>>) target_semaphore(%run_scoped3A_143 : memref<!tpu.dma_semaphore, #tpu.memory_space<semaphore_mem>>)
      %dma_wait3A_148 = arith.constant 0 : i32
      %dma_wait3A_149 = tpu.memref_slice %arg10[%add3A_31, %dma_wait3A_148] : memref<10000x128xf32, #tpu.memory_space<vmem_shared>> -> memref<25x128xf32, #tpu.memory_space<vmem_shared>>
      %dma_wait3A_150 = arith.constant 0 : i32
      %dma_wait3A_151 = tpu.memref_slice %arg10[%add3A_31, %dma_wait3A_150] : memref<10000x128xf32, #tpu.memory_space<vmem_shared>> -> memref<25x128xf32, #tpu.memory_space<vmem_shared>>
      tpu.wait_dma2 semaphore(%run_scoped3A_143 : memref<!tpu.dma_semaphore, #tpu.memory_space<semaphore_mem>>) src(%arg9 : memref<25x128xf32, #tpu.memory_space<vmem>>) dst(%dma_wait3A_151 : memref<25x128xf32, #tpu.memory_space<vmem_shared>>)
      tpu.yield
    }) : () -> ()
    %add3A_32 = arith.constant 250 : i32
    %add3A_33 = arith.addi %mul3A_4, %add3A_32 : i32
    "tpu.region"() ({
      %run_scoped3A_143 = tpu.sem_alloc : memref<!tpu.dma_semaphore, #tpu.memory_space<semaphore_mem>>
      %dma_start3A_144 = arith.constant 0 : i32
      %dma_start3A_145 = tpu.memref_slice %arg10[%add3A_33, %dma_start3A_144] : memref<10000x128xf32, #tpu.memory_space<vmem_shared>> -> memref<25x128xf32, #tpu.memory_space<vmem_shared>>
      %dma_start3A_146 = arith.constant 0 : i32
      %dma_start3A_147 = tpu.memref_slice %arg10[%add3A_33, %dma_start3A_146] : memref<10000x128xf32, #tpu.memory_space<vmem_shared>> -> memref<25x128xf32, #tpu.memory_space<vmem_shared>>
      tpu.enqueue_dma source(%arg9 : memref<25x128xf32, #tpu.memory_space<vmem>>) target(%dma_start3A_147 : memref<25x128xf32, #tpu.memory_space<vmem_shared>>) target_semaphore(%run_scoped3A_143 : memref<!tpu.dma_semaphore, #tpu.memory_space<semaphore_mem>>)
      %dma_wait3A_148 = arith.constant 0 : i32
      %dma_wait3A_149 = tpu.memref_slice %arg10[%add3A_33, %dma_wait3A_148] : memref<10000x128xf32, #tpu.memory_space<vmem_shared>> -> memref<25x128xf32, #tpu.memory_space<vmem_shared>>
      %dma_wait3A_150 = arith.constant 0 : i32
      %dma_wait3A_151 = tpu.memref_slice %arg10[%add3A_33, %dma_wait3A_150] : memref<10000x128xf32, #tpu.memory_space<vmem_shared>> -> memref<25x128xf32, #tpu.memory_space<vmem_shared>>
      tpu.wait_dma2 semaphore(%run_scoped3A_143 : memref<!tpu.dma_semaphore, #tpu.memory_space<semaphore_mem>>) src(%arg9 : memref<25x128xf32, #tpu.memory_space<vmem>>) dst(%dma_wait3A_151 : memref<25x128xf32, #tpu.memory_space<vmem_shared>>)
      tpu.yield
    }) : () -> ()
    %add3A_34 = arith.constant 275 : i32
    %add3A_35 = arith.addi %mul3A_4, %add3A_34 : i32
    "tpu.region"() ({
      %run_scoped3A_143 = tpu.sem_alloc : memref<!tpu.dma_semaphore, #tpu.memory_space<semaphore_mem>>
      %dma_start3A_144 = arith.constant 0 : i32
      %dma_start3A_145 = tpu.memref_slice %arg10[%add3A_35, %dma_start3A_144] : memref<10000x128xf32, #tpu.memory_space<vmem_shared>> -> memref<25x128xf32, #tpu.memory_space<vmem_shared>>
      %dma_start3A_146 = arith.constant 0 : i32
      %dma_start3A_147 = tpu.memref_slice %arg10[%add3A_35, %dma_start3A_146] : memref<10000x128xf32, #tpu.memory_space<vmem_shared>> -> memref<25x128xf32, #tpu.memory_space<vmem_shared>>
      tpu.enqueue_dma source(%arg9 : memref<25x128xf32, #tpu.memory_space<vmem>>) target(%dma_start3A_147 : memref<25x128xf32, #tpu.memory_space<vmem_shared>>) target_semaphore(%run_scoped3A_143 : memref<!tpu.dma_semaphore, #tpu.memory_space<semaphore_mem>>)
      %dma_wait3A_148 = arith.constant 0 : i32
      %dma_wait3A_149 = tpu.memref_slice %arg10[%add3A_35, %dma_wait3A_148] : memref<10000x128xf32, #tpu.memory_space<vmem_shared>> -> memref<25x128xf32, #tpu.memory_space<vmem_shared>>
      %dma_wait3A_150 = arith.constant 0 : i32
      %dma_wait3A_151 = tpu.memref_slice %arg10[%add3A_35, %dma_wait3A_150] : memref<10000x128xf32, #tpu.memory_space<vmem_shared>> -> memref<25x128xf32, #tpu.memory_space<vmem_shared>>
      tpu.wait_dma2 semaphore(%run_scoped3A_143 : memref<!tpu.dma_semaphore, #tpu.memory_space<semaphore_mem>>) src(%arg9 : memref<25x128xf32, #tpu.memory_space<vmem>>) dst(%dma_wait3A_151 : memref<25x128xf32, #tpu.memory_space<vmem_shared>>)
      tpu.yield
    }) : () -> ()
    %add3A_36 = arith.constant 300 : i32
    %add3A_37 = arith.addi %mul3A_4, %add3A_36 : i32
    "tpu.region"() ({
      %run_scoped3A_143 = tpu.sem_alloc : memref<!tpu.dma_semaphore, #tpu.memory_space<semaphore_mem>>
      %dma_start3A_144 = arith.constant 0 : i32
      %dma_start3A_145 = tpu.memref_slice %arg10[%add3A_37, %dma_start3A_144] : memref<10000x128xf32, #tpu.memory_space<vmem_shared>> -> memref<25x128xf32, #tpu.memory_space<vmem_shared>>
      %dma_start3A_146 = arith.constant 0 : i32
      %dma_start3A_147 = tpu.memref_slice %arg10[%add3A_37, %dma_start3A_146] : memref<10000x128xf32, #tpu.memory_space<vmem_shared>> -> memref<25x128xf32, #tpu.memory_space<vmem_shared>>
      tpu.enqueue_dma source(%arg9 : memref<25x128xf32, #tpu.memory_space<vmem>>) target(%dma_start3A_147 : memref<25x128xf32, #tpu.memory_space<vmem_shared>>) target_semaphore(%run_scoped3A_143 : memref<!tpu.dma_semaphore, #tpu.memory_space<semaphore_mem>>)
      %dma_wait3A_148 = arith.constant 0 : i32
      %dma_wait3A_149 = tpu.memref_slice %arg10[%add3A_37, %dma_wait3A_148] : memref<10000x128xf32, #tpu.memory_space<vmem_shared>> -> memref<25x128xf32, #tpu.memory_space<vmem_shared>>
      %dma_wait3A_150 = arith.constant 0 : i32
      %dma_wait3A_151 = tpu.memref_slice %arg10[%add3A_37, %dma_wait3A_150] : memref<10000x128xf32, #tpu.memory_space<vmem_shared>> -> memref<25x128xf32, #tpu.memory_space<vmem_shared>>
      tpu.wait_dma2 semaphore(%run_scoped3A_143 : memref<!tpu.dma_semaphore, #tpu.memory_space<semaphore_mem>>) src(%arg9 : memref<25x128xf32, #tpu.memory_space<vmem>>) dst(%dma_wait3A_151 : memref<25x128xf32, #tpu.memory_space<vmem_shared>>)
      tpu.yield
    }) : () -> ()
    %add3A_38 = arith.constant 325 : i32
    %add3A_39 = arith.addi %mul3A_4, %add3A_38 : i32
    "tpu.region"() ({
      %run_scoped3A_143 = tpu.sem_alloc : memref<!tpu.dma_semaphore, #tpu.memory_space<semaphore_mem>>
      %dma_start3A_144 = arith.constant 0 : i32
      %dma_start3A_145 = tpu.memref_slice %arg10[%add3A_39, %dma_start3A_144] : memref<10000x128xf32, #tpu.memory_space<vmem_shared>> -> memref<25x128xf32, #tpu.memory_space<vmem_shared>>
      %dma_start3A_146 = arith.constant 0 : i32
      %dma_start3A_147 = tpu.memref_slice %arg10[%add3A_39, %dma_start3A_146] : memref<10000x128xf32, #tpu.memory_space<vmem_shared>> -> memref<25x128xf32, #tpu.memory_space<vmem_shared>>
      tpu.enqueue_dma source(%arg9 : memref<25x128xf32, #tpu.memory_space<vmem>>) target(%dma_start3A_147 : memref<25x128xf32, #tpu.memory_space<vmem_shared>>) target_semaphore(%run_scoped3A_143 : memref<!tpu.dma_semaphore, #tpu.memory_space<semaphore_mem>>)
      %dma_wait3A_148 = arith.constant 0 : i32
      %dma_wait3A_149 = tpu.memref_slice %arg10[%add3A_39, %dma_wait3A_148] : memref<10000x128xf32, #tpu.memory_space<vmem_shared>> -> memref<25x128xf32, #tpu.memory_space<vmem_shared>>
      %dma_wait3A_150 = arith.constant 0 : i32
      %dma_wait3A_151 = tpu.memref_slice %arg10[%add3A_39, %dma_wait3A_150] : memref<10000x128xf32, #tpu.memory_space<vmem_shared>> -> memref<25x128xf32, #tpu.memory_space<vmem_shared>>
      tpu.wait_dma2 semaphore(%run_scoped3A_143 : memref<!tpu.dma_semaphore, #tpu.memory_space<semaphore_mem>>) src(%arg9 : memref<25x128xf32, #tpu.memory_space<vmem>>) dst(%dma_wait3A_151 : memref<25x128xf32, #tpu.memory_space<vmem_shared>>)
      tpu.yield
    }) : () -> ()
    %add3A_40 = arith.constant 350 : i32
    %add3A_41 = arith.addi %mul3A_4, %add3A_40 : i32
    "tpu.region"() ({
      %run_scoped3A_143 = tpu.sem_alloc : memref<!tpu.dma_semaphore, #tpu.memory_space<semaphore_mem>>
      %dma_start3A_144 = arith.constant 0 : i32
      %dma_start3A_145 = tpu.memref_slice %arg10[%add3A_41, %dma_start3A_144] : memref<10000x128xf32, #tpu.memory_space<vmem_shared>> -> memref<25x128xf32, #tpu.memory_space<vmem_shared>>
      %dma_start3A_146 = arith.constant 0 : i32
      %dma_start3A_147 = tpu.memref_slice %arg10[%add3A_41, %dma_start3A_146] : memref<10000x128xf32, #tpu.memory_space<vmem_shared>> -> memref<25x128xf32, #tpu.memory_space<vmem_shared>>
      tpu.enqueue_dma source(%arg9 : memref<25x128xf32, #tpu.memory_space<vmem>>) target(%dma_start3A_147 : memref<25x128xf32, #tpu.memory_space<vmem_shared>>) target_semaphore(%run_scoped3A_143 : memref<!tpu.dma_semaphore, #tpu.memory_space<semaphore_mem>>)
      %dma_wait3A_148 = arith.constant 0 : i32
      %dma_wait3A_149 = tpu.memref_slice %arg10[%add3A_41, %dma_wait3A_148] : memref<10000x128xf32, #tpu.memory_space<vmem_shared>> -> memref<25x128xf32, #tpu.memory_space<vmem_shared>>
      %dma_wait3A_150 = arith.constant 0 : i32
      %dma_wait3A_151 = tpu.memref_slice %arg10[%add3A_41, %dma_wait3A_150] : memref<10000x128xf32, #tpu.memory_space<vmem_shared>> -> memref<25x128xf32, #tpu.memory_space<vmem_shared>>
      tpu.wait_dma2 semaphore(%run_scoped3A_143 : memref<!tpu.dma_semaphore, #tpu.memory_space<semaphore_mem>>) src(%arg9 : memref<25x128xf32, #tpu.memory_space<vmem>>) dst(%dma_wait3A_151 : memref<25x128xf32, #tpu.memory_space<vmem_shared>>)
      tpu.yield
    }) : () -> ()
    %add3A_42 = arith.constant 375 : i32
    %add3A_43 = arith.addi %mul3A_4, %add3A_42 : i32
    "tpu.region"() ({
      %run_scoped3A_143 = tpu.sem_alloc : memref<!tpu.dma_semaphore, #tpu.memory_space<semaphore_mem>>
      %dma_start3A_144 = arith.constant 0 : i32
      %dma_start3A_145 = tpu.memref_slice %arg10[%add3A_43, %dma_start3A_144] : memref<10000x128xf32, #tpu.memory_space<vmem_shared>> -> memref<25x128xf32, #tpu.memory_space<vmem_shared>>
      %dma_start3A_146 = arith.constant 0 : i32
      %dma_start3A_147 = tpu.memref_slice %arg10[%add3A_43, %dma_start3A_146] : memref<10000x128xf32, #tpu.memory_space<vmem_shared>> -> memref<25x128xf32, #tpu.memory_space<vmem_shared>>
      tpu.enqueue_dma source(%arg9 : memref<25x128xf32, #tpu.memory_space<vmem>>) target(%dma_start3A_147 : memref<25x128xf32, #tpu.memory_space<vmem_shared>>) target_semaphore(%run_scoped3A_143 : memref<!tpu.dma_semaphore, #tpu.memory_space<semaphore_mem>>)
      %dma_wait3A_148 = arith.constant 0 : i32
      %dma_wait3A_149 = tpu.memref_slice %arg10[%add3A_43, %dma_wait3A_148] : memref<10000x128xf32, #tpu.memory_space<vmem_shared>> -> memref<25x128xf32, #tpu.memory_space<vmem_shared>>
      %dma_wait3A_150 = arith.constant 0 : i32
      %dma_wait3A_151 = tpu.memref_slice %arg10[%add3A_43, %dma_wait3A_150] : memref<10000x128xf32, #tpu.memory_space<vmem_shared>> -> memref<25x128xf32, #tpu.memory_space<vmem_shared>>
      tpu.wait_dma2 semaphore(%run_scoped3A_143 : memref<!tpu.dma_semaphore, #tpu.memory_space<semaphore_mem>>) src(%arg9 : memref<25x128xf32, #tpu.memory_space<vmem>>) dst(%dma_wait3A_151 : memref<25x128xf32, #tpu.memory_space<vmem_shared>>)
      tpu.yield
    }) : () -> ()
    %add3A_44 = arith.constant 400 : i32
    %add3A_45 = arith.addi %mul3A_4, %add3A_44 : i32
    "tpu.region"() ({
      %run_scoped3A_143 = tpu.sem_alloc : memref<!tpu.dma_semaphore, #tpu.memory_space<semaphore_mem>>
      %dma_start3A_144 = arith.constant 0 : i32
      %dma_start3A_145 = tpu.memref_slice %arg10[%add3A_45, %dma_start3A_144] : memref<10000x128xf32, #tpu.memory_space<vmem_shared>> -> memref<25x128xf32, #tpu.memory_space<vmem_shared>>
      %dma_start3A_146 = arith.constant 0 : i32
      %dma_start3A_147 = tpu.memref_slice %arg10[%add3A_45, %dma_start3A_146] : memref<10000x128xf32, #tpu.memory_space<vmem_shared>> -> memref<25x128xf32, #tpu.memory_space<vmem_shared>>
      tpu.enqueue_dma source(%arg9 : memref<25x128xf32, #tpu.memory_space<vmem>>) target(%dma_start3A_147 : memref<25x128xf32, #tpu.memory_space<vmem_shared>>) target_semaphore(%run_scoped3A_143 : memref<!tpu.dma_semaphore, #tpu.memory_space<semaphore_mem>>)
      %dma_wait3A_148 = arith.constant 0 : i32
      %dma_wait3A_149 = tpu.memref_slice %arg10[%add3A_45, %dma_wait3A_148] : memref<10000x128xf32, #tpu.memory_space<vmem_shared>> -> memref<25x128xf32, #tpu.memory_space<vmem_shared>>
      %dma_wait3A_150 = arith.constant 0 : i32
      %dma_wait3A_151 = tpu.memref_slice %arg10[%add3A_45, %dma_wait3A_150] : memref<10000x128xf32, #tpu.memory_space<vmem_shared>> -> memref<25x128xf32, #tpu.memory_space<vmem_shared>>
      tpu.wait_dma2 semaphore(%run_scoped3A_143 : memref<!tpu.dma_semaphore, #tpu.memory_space<semaphore_mem>>) src(%arg9 : memref<25x128xf32, #tpu.memory_space<vmem>>) dst(%dma_wait3A_151 : memref<25x128xf32, #tpu.memory_space<vmem_shared>>)
      tpu.yield
    }) : () -> ()
    %add3A_46 = arith.constant 425 : i32
    %add3A_47 = arith.addi %mul3A_4, %add3A_46 : i32
    "tpu.region"() ({
      %run_scoped3A_143 = tpu.sem_alloc : memref<!tpu.dma_semaphore, #tpu.memory_space<semaphore_mem>>
      %dma_start3A_144 = arith.constant 0 : i32
      %dma_start3A_145 = tpu.memref_slice %arg10[%add3A_47, %dma_start3A_144] : memref<10000x128xf32, #tpu.memory_space<vmem_shared>> -> memref<25x128xf32, #tpu.memory_space<vmem_shared>>
      %dma_start3A_146 = arith.constant 0 : i32
      %dma_start3A_147 = tpu.memref_slice %arg10[%add3A_47, %dma_start3A_146] : memref<10000x128xf32, #tpu.memory_space<vmem_shared>> -> memref<25x128xf32, #tpu.memory_space<vmem_shared>>
      tpu.enqueue_dma source(%arg9 : memref<25x128xf32, #tpu.memory_space<vmem>>) target(%dma_start3A_147 : memref<25x128xf32, #tpu.memory_space<vmem_shared>>) target_semaphore(%run_scoped3A_143 : memref<!tpu.dma_semaphore, #tpu.memory_space<semaphore_mem>>)
      %dma_wait3A_148 = arith.constant 0 : i32
      %dma_wait3A_149 = tpu.memref_slice %arg10[%add3A_47, %dma_wait3A_148] : memref<10000x128xf32, #tpu.memory_space<vmem_shared>> -> memref<25x128xf32, #tpu.memory_space<vmem_shared>>
      %dma_wait3A_150 = arith.constant 0 : i32
      %dma_wait3A_151 = tpu.memref_slice %arg10[%add3A_47, %dma_wait3A_150] : memref<10000x128xf32, #tpu.memory_space<vmem_shared>> -> memref<25x128xf32, #tpu.memory_space<vmem_shared>>
      tpu.wait_dma2 semaphore(%run_scoped3A_143 : memref<!tpu.dma_semaphore, #tpu.memory_space<semaphore_mem>>) src(%arg9 : memref<25x128xf32, #tpu.memory_space<vmem>>) dst(%dma_wait3A_151 : memref<25x128xf32, #tpu.memory_space<vmem_shared>>)
      tpu.yield
    }) : () -> ()
    %add3A_48 = arith.constant 450 : i32
    %add3A_49 = arith.addi %mul3A_4, %add3A_48 : i32
    "tpu.region"() ({
      %run_scoped3A_143 = tpu.sem_alloc : memref<!tpu.dma_semaphore, #tpu.memory_space<semaphore_mem>>
      %dma_start3A_144 = arith.constant 0 : i32
      %dma_start3A_145 = tpu.memref_slice %arg10[%add3A_49, %dma_start3A_144] : memref<10000x128xf32, #tpu.memory_space<vmem_shared>> -> memref<25x128xf32, #tpu.memory_space<vmem_shared>>
      %dma_start3A_146 = arith.constant 0 : i32
      %dma_start3A_147 = tpu.memref_slice %arg10[%add3A_49, %dma_start3A_146] : memref<10000x128xf32, #tpu.memory_space<vmem_shared>> -> memref<25x128xf32, #tpu.memory_space<vmem_shared>>
      tpu.enqueue_dma source(%arg9 : memref<25x128xf32, #tpu.memory_space<vmem>>) target(%dma_start3A_147 : memref<25x128xf32, #tpu.memory_space<vmem_shared>>) target_semaphore(%run_scoped3A_143 : memref<!tpu.dma_semaphore, #tpu.memory_space<semaphore_mem>>)
      %dma_wait3A_148 = arith.constant 0 : i32
      %dma_wait3A_149 = tpu.memref_slice %arg10[%add3A_49, %dma_wait3A_148] : memref<10000x128xf32, #tpu.memory_space<vmem_shared>> -> memref<25x128xf32, #tpu.memory_space<vmem_shared>>
      %dma_wait3A_150 = arith.constant 0 : i32
      %dma_wait3A_151 = tpu.memref_slice %arg10[%add3A_49, %dma_wait3A_150] : memref<10000x128xf32, #tpu.memory_space<vmem_shared>> -> memref<25x128xf32, #tpu.memory_space<vmem_shared>>
      tpu.wait_dma2 semaphore(%run_scoped3A_143 : memref<!tpu.dma_semaphore, #tpu.memory_space<semaphore_mem>>) src(%arg9 : memref<25x128xf32, #tpu.memory_space<vmem>>) dst(%dma_wait3A_151 : memref<25x128xf32, #tpu.memory_space<vmem_shared>>)
      tpu.yield
    }) : () -> ()
    %add3A_50 = arith.constant 475 : i32
    %add3A_51 = arith.addi %mul3A_4, %add3A_50 : i32
    "tpu.region"() ({
      %run_scoped3A_143 = tpu.sem_alloc : memref<!tpu.dma_semaphore, #tpu.memory_space<semaphore_mem>>
      %dma_start3A_144 = arith.constant 0 : i32
      %dma_start3A_145 = tpu.memref_slice %arg10[%add3A_51, %dma_start3A_144] : memref<10000x128xf32, #tpu.memory_space<vmem_shared>> -> memref<25x128xf32, #tpu.memory_space<vmem_shared>>
      %dma_start3A_146 = arith.constant 0 : i32
      %dma_start3A_147 = tpu.memref_slice %arg10[%add3A_51, %dma_start3A_146] : memref<10000x128xf32, #tpu.memory_space<vmem_shared>> -> memref<25x128xf32, #tpu.memory_space<vmem_shared>>
      tpu.enqueue_dma source(%arg9 : memref<25x128xf32, #tpu.memory_space<vmem>>) target(%dma_start3A_147 : memref<25x128xf32, #tpu.memory_space<vmem_shared>>) target_semaphore(%run_scoped3A_143 : memref<!tpu.dma_semaphore, #tpu.memory_space<semaphore_mem>>)
      %dma_wait3A_148 = arith.constant 0 : i32
      %dma_wait3A_149 = tpu.memref_slice %arg10[%add3A_51, %dma_wait3A_148] : memref<10000x128xf32, #tpu.memory_space<vmem_shared>> -> memref<25x128xf32, #tpu.memory_space<vmem_shared>>
      %dma_wait3A_150 = arith.constant 0 : i32
      %dma_wait3A_151 = tpu.memref_slice %arg10[%add3A_51, %dma_wait3A_150] : memref<10000x128xf32, #tpu.memory_space<vmem_shared>> -> memref<25x128xf32, #tpu.memory_space<vmem_shared>>
      tpu.wait_dma2 semaphore(%run_scoped3A_143 : memref<!tpu.dma_semaphore, #tpu.memory_space<semaphore_mem>>) src(%arg9 : memref<25x128xf32, #tpu.memory_space<vmem>>) dst(%dma_wait3A_151 : memref<25x128xf32, #tpu.memory_space<vmem_shared>>)
      tpu.yield
    }) : () -> ()
    %add3A_52 = arith.constant 500 : i32
    %add3A_53 = arith.addi %mul3A_4, %add3A_52 : i32
    "tpu.region"() ({
      %run_scoped3A_143 = tpu.sem_alloc : memref<!tpu.dma_semaphore, #tpu.memory_space<semaphore_mem>>
      %dma_start3A_144 = arith.constant 0 : i32
      %dma_start3A_145 = tpu.memref_slice %arg10[%add3A_53, %dma_start3A_144] : memref<10000x128xf32, #tpu.memory_space<vmem_shared>> -> memref<25x128xf32, #tpu.memory_space<vmem_shared>>
      %dma_start3A_146 = arith.constant 0 : i32
      %dma_start3A_147 = tpu.memref_slice %arg10[%add3A_53, %dma_start3A_146] : memref<10000x128xf32, #tpu.memory_space<vmem_shared>> -> memref<25x128xf32, #tpu.memory_space<vmem_shared>>
      tpu.enqueue_dma source(%arg9 : memref<25x128xf32, #tpu.memory_space<vmem>>) target(%dma_start3A_147 : memref<25x128xf32, #tpu.memory_space<vmem_shared>>) target_semaphore(%run_scoped3A_143 : memref<!tpu.dma_semaphore, #tpu.memory_space<semaphore_mem>>)
      %dma_wait3A_148 = arith.constant 0 : i32
      %dma_wait3A_149 = tpu.memref_slice %arg10[%add3A_53, %dma_wait3A_148] : memref<10000x128xf32, #tpu.memory_space<vmem_shared>> -> memref<25x128xf32, #tpu.memory_space<vmem_shared>>
      %dma_wait3A_150 = arith.constant 0 : i32
      %dma_wait3A_151 = tpu.memref_slice %arg10[%add3A_53, %dma_wait3A_150] : memref<10000x128xf32, #tpu.memory_space<vmem_shared>> -> memref<25x128xf32, #tpu.memory_space<vmem_shared>>
      tpu.wait_dma2 semaphore(%run_scoped3A_143 : memref<!tpu.dma_semaphore, #tpu.memory_space<semaphore_mem>>) src(%arg9 : memref<25x128xf32, #tpu.memory_space<vmem>>) dst(%dma_wait3A_151 : memref<25x128xf32, #tpu.memory_space<vmem_shared>>)
      tpu.yield
    }) : () -> ()
    %add3A_54 = arith.constant 525 : i32
    %add3A_55 = arith.addi %mul3A_4, %add3A_54 : i32
    "tpu.region"() ({
      %run_scoped3A_143 = tpu.sem_alloc : memref<!tpu.dma_semaphore, #tpu.memory_space<semaphore_mem>>
      %dma_start3A_144 = arith.constant 0 : i32
      %dma_start3A_145 = tpu.memref_slice %arg10[%add3A_55, %dma_start3A_144] : memref<10000x128xf32, #tpu.memory_space<vmem_shared>> -> memref<25x128xf32, #tpu.memory_space<vmem_shared>>
      %dma_start3A_146 = arith.constant 0 : i32
      %dma_start3A_147 = tpu.memref_slice %arg10[%add3A_55, %dma_start3A_146] : memref<10000x128xf32, #tpu.memory_space<vmem_shared>> -> memref<25x128xf32, #tpu.memory_space<vmem_shared>>
      tpu.enqueue_dma source(%arg9 : memref<25x128xf32, #tpu.memory_space<vmem>>) target(%dma_start3A_147 : memref<25x128xf32, #tpu.memory_space<vmem_shared>>) target_semaphore(%run_scoped3A_143 : memref<!tpu.dma_semaphore, #tpu.memory_space<semaphore_mem>>)
      %dma_wait3A_148 = arith.constant 0 : i32
      %dma_wait3A_149 = tpu.memref_slice %arg10[%add3A_55, %dma_wait3A_148] : memref<10000x128xf32, #tpu.memory_space<vmem_shared>> -> memref<25x128xf32, #tpu.memory_space<vmem_shared>>
      %dma_wait3A_150 = arith.constant 0 : i32
      %dma_wait3A_151 = tpu.memref_slice %arg10[%add3A_55, %dma_wait3A_150] : memref<10000x128xf32, #tpu.memory_space<vmem_shared>> -> memref<25x128xf32, #tpu.memory_space<vmem_shared>>
      tpu.wait_dma2 semaphore(%run_scoped3A_143 : memref<!tpu.dma_semaphore, #tpu.memory_space<semaphore_mem>>) src(%arg9 : memref<25x128xf32, #tpu.memory_space<vmem>>) dst(%dma_wait3A_151 : memref<25x128xf32, #tpu.memory_space<vmem_shared>>)
      tpu.yield
    }) : () -> ()
    %add3A_56 = arith.constant 550 : i32
    %add3A_57 = arith.addi %mul3A_4, %add3A_56 : i32
    "tpu.region"() ({
      %run_scoped3A_143 = tpu.sem_alloc : memref<!tpu.dma_semaphore, #tpu.memory_space<semaphore_mem>>
      %dma_start3A_144 = arith.constant 0 : i32
      %dma_start3A_145 = tpu.memref_slice %arg10[%add3A_57, %dma_start3A_144] : memref<10000x128xf32, #tpu.memory_space<vmem_shared>> -> memref<25x128xf32, #tpu.memory_space<vmem_shared>>
      %dma_start3A_146 = arith.constant 0 : i32
      %dma_start3A_147 = tpu.memref_slice %arg10[%add3A_57, %dma_start3A_146] : memref<10000x128xf32, #tpu.memory_space<vmem_shared>> -> memref<25x128xf32, #tpu.memory_space<vmem_shared>>
      tpu.enqueue_dma source(%arg9 : memref<25x128xf32, #tpu.memory_space<vmem>>) target(%dma_start3A_147 : memref<25x128xf32, #tpu.memory_space<vmem_shared>>) target_semaphore(%run_scoped3A_143 : memref<!tpu.dma_semaphore, #tpu.memory_space<semaphore_mem>>)
      %dma_wait3A_148 = arith.constant 0 : i32
      %dma_wait3A_149 = tpu.memref_slice %arg10[%add3A_57, %dma_wait3A_148] : memref<10000x128xf32, #tpu.memory_space<vmem_shared>> -> memref<25x128xf32, #tpu.memory_space<vmem_shared>>
      %dma_wait3A_150 = arith.constant 0 : i32
      %dma_wait3A_151 = tpu.memref_slice %arg10[%add3A_57, %dma_wait3A_150] : memref<10000x128xf32, #tpu.memory_space<vmem_shared>> -> memref<25x128xf32, #tpu.memory_space<vmem_shared>>
      tpu.wait_dma2 semaphore(%run_scoped3A_143 : memref<!tpu.dma_semaphore, #tpu.memory_space<semaphore_mem>>) src(%arg9 : memref<25x128xf32, #tpu.memory_space<vmem>>) dst(%dma_wait3A_151 : memref<25x128xf32, #tpu.memory_space<vmem_shared>>)
      tpu.yield
    }) : () -> ()
    %add3A_58 = arith.constant 575 : i32
    %add3A_59 = arith.addi %mul3A_4, %add3A_58 : i32
    "tpu.region"() ({
      %run_scoped3A_143 = tpu.sem_alloc : memref<!tpu.dma_semaphore, #tpu.memory_space<semaphore_mem>>
      %dma_start3A_144 = arith.constant 0 : i32
      %dma_start3A_145 = tpu.memref_slice %arg10[%add3A_59, %dma_start3A_144] : memref<10000x128xf32, #tpu.memory_space<vmem_shared>> -> memref<25x128xf32, #tpu.memory_space<vmem_shared>>
      %dma_start3A_146 = arith.constant 0 : i32
      %dma_start3A_147 = tpu.memref_slice %arg10[%add3A_59, %dma_start3A_146] : memref<10000x128xf32, #tpu.memory_space<vmem_shared>> -> memref<25x128xf32, #tpu.memory_space<vmem_shared>>
      tpu.enqueue_dma source(%arg9 : memref<25x128xf32, #tpu.memory_space<vmem>>) target(%dma_start3A_147 : memref<25x128xf32, #tpu.memory_space<vmem_shared>>) target_semaphore(%run_scoped3A_143 : memref<!tpu.dma_semaphore, #tpu.memory_space<semaphore_mem>>)
      %dma_wait3A_148 = arith.constant 0 : i32
      %dma_wait3A_149 = tpu.memref_slice %arg10[%add3A_59, %dma_wait3A_148] : memref<10000x128xf32, #tpu.memory_space<vmem_shared>> -> memref<25x128xf32, #tpu.memory_space<vmem_shared>>
      %dma_wait3A_150 = arith.constant 0 : i32
      %dma_wait3A_151 = tpu.memref_slice %arg10[%add3A_59, %dma_wait3A_150] : memref<10000x128xf32, #tpu.memory_space<vmem_shared>> -> memref<25x128xf32, #tpu.memory_space<vmem_shared>>
      tpu.wait_dma2 semaphore(%run_scoped3A_143 : memref<!tpu.dma_semaphore, #tpu.memory_space<semaphore_mem>>) src(%arg9 : memref<25x128xf32, #tpu.memory_space<vmem>>) dst(%dma_wait3A_151 : memref<25x128xf32, #tpu.memory_space<vmem_shared>>)
      tpu.yield
    }) : () -> ()
    %add3A_60 = arith.constant 600 : i32
    %add3A_61 = arith.addi %mul3A_4, %add3A_60 : i32
    "tpu.region"() ({
      %run_scoped3A_143 = tpu.sem_alloc : memref<!tpu.dma_semaphore, #tpu.memory_space<semaphore_mem>>
      %dma_start3A_144 = arith.constant 0 : i32
      %dma_start3A_145 = tpu.memref_slice %arg10[%add3A_61, %dma_start3A_144] : memref<10000x128xf32, #tpu.memory_space<vmem_shared>> -> memref<25x128xf32, #tpu.memory_space<vmem_shared>>
      %dma_start3A_146 = arith.constant 0 : i32
      %dma_start3A_147 = tpu.memref_slice %arg10[%add3A_61, %dma_start3A_146] : memref<10000x128xf32, #tpu.memory_space<vmem_shared>> -> memref<25x128xf32, #tpu.memory_space<vmem_shared>>
      tpu.enqueue_dma source(%arg9 : memref<25x128xf32, #tpu.memory_space<vmem>>) target(%dma_start3A_147 : memref<25x128xf32, #tpu.memory_space<vmem_shared>>) target_semaphore(%run_scoped3A_143 : memref<!tpu.dma_semaphore, #tpu.memory_space<semaphore_mem>>)
      %dma_wait3A_148 = arith.constant 0 : i32
      %dma_wait3A_149 = tpu.memref_slice %arg10[%add3A_61, %dma_wait3A_148] : memref<10000x128xf32, #tpu.memory_space<vmem_shared>> -> memref<25x128xf32, #tpu.memory_space<vmem_shared>>
      %dma_wait3A_150 = arith.constant 0 : i32
      %dma_wait3A_151 = tpu.memref_slice %arg10[%add3A_61, %dma_wait3A_150] : memref<10000x128xf32, #tpu.memory_space<vmem_shared>> -> memref<25x128xf32, #tpu.memory_space<vmem_shared>>
      tpu.wait_dma2 semaphore(%run_scoped3A_143 : memref<!tpu.dma_semaphore, #tpu.memory_space<semaphore_mem>>) src(%arg9 : memref<25x128xf32, #tpu.memory_space<vmem>>) dst(%dma_wait3A_151 : memref<25x128xf32, #tpu.memory_space<vmem_shared>>)
      tpu.yield
    }) : () -> ()
    %barrier3A = arith.constant 0 : index
    tpu.barrier barrier_id(%barrier3A)
    %dma_start3A = arith.constant 0 : i32
    %dma_start3A_62 = arith.constant 0 : i32
    %dma_start3A_63 = arith.constant 0 : i32
    %dma_start3A_64 = arith.constant 0 : i32
    %dma_start3A_65 = tpu.memref_slice %arg8[%dma_start3A_62, %dma_start3A_63, %dma_start3A_64] : memref<2x80x128xf32, #tpu.memory_space<vmem>> -> memref<1x80x128xf32, #tpu.memory_space<vmem>>
    %dma_start3A_66 = tpu.memref_squeeze %dma_start3A_65 : memref<1x80x128xf32, #tpu.memory_space<vmem>> -> memref<80x128xf32, #tpu.memory_space<vmem>>
    %dma_start3A_67 = arith.constant 0 : i32
    %dma_start3A_68 = tpu.memref_slice %arg6[%dma_start3A, %dma_start3A_67] : memref<125x80xi32, #tpu.memory_space<vmem>> -> memref<1x80xi32, #tpu.memory_space<vmem>>
    %dma_start3A_69 = tpu.memref_squeeze %dma_start3A_68 : memref<1x80xi32, #tpu.memory_space<vmem>> -> memref<80xi32, #tpu.memory_space<vmem>>
    %dma_start3A_70 = arith.constant 0 : i32
    %dma_start3A_71 = arith.constant 0 : i32
    %dma_start3A_72 = tpu.memref_slice %arg2[%dma_start3A_70, %dma_start3A_71] : memref<10000x128xf32, #tpu.memory_space<hbm>> -> memref<10000x128xf32, #tpu.memory_space<hbm>>
    tpu.enqueue_indirect_dma source(%dma_start3A_72 : memref<10000x128xf32, #tpu.memory_space<hbm>>) target(%dma_start3A_66 : memref<80x128xf32, #tpu.memory_space<vmem>>) offsets(%dma_start3A_69 : memref<80xi32, #tpu.memory_space<vmem>>) semaphore(%arg11 : memref<!tpu.dma_semaphore, #tpu.memory_space<semaphore_mem>>)
    %scan3A_73 = arith.constant 0 : i32
    %scan3A_74 = arith.constant 0 : i32
    %scan3A_75 = arith.constant 62 : i32
    %scan3A_76 = arith.addi %scan3A_74, %scan3A_75 : i32
    %scan3A_77 = arith.constant 1 : i32
    %scan3A_78 = scf.for %scan3A_143 = %scan3A_74 to %scan3A_76 step %scan3A_77 iter_args(%scan3A_144 = %scan3A_73) -> (i32)  : i32 {
      %mul3A_145 = arith.constant 2 : i32
      %mul3A_146 = arith.muli %scan3A_143, %mul3A_145 : i32
      %add3A_147 = arith.constant 1 : i32
      %add3A_148 = arith.addi %mul3A_146, %add3A_147 : i32
      %dma_start3A_149 = arith.constant 1 : i32
      %dma_start3A_150 = arith.constant 0 : i32
      %dma_start3A_151 = arith.constant 0 : i32
      %dma_start3A_152 = tpu.memref_slice %arg8[%dma_start3A_149, %dma_start3A_150, %dma_start3A_151] : memref<2x80x128xf32, #tpu.memory_space<vmem>> -> memref<1x80x128xf32, #tpu.memory_space<vmem>>
      %dma_start3A_153 = tpu.memref_squeeze %dma_start3A_152 : memref<1x80x128xf32, #tpu.memory_space<vmem>> -> memref<80x128xf32, #tpu.memory_space<vmem>>
      %dma_start3A_154 = arith.constant 0 : i32
      %dma_start3A_155 = tpu.memref_slice %arg6[%add3A_148, %dma_start3A_154] : memref<125x80xi32, #tpu.memory_space<vmem>> -> memref<1x80xi32, #tpu.memory_space<vmem>>
      %dma_start3A_156 = tpu.memref_squeeze %dma_start3A_155 : memref<1x80xi32, #tpu.memory_space<vmem>> -> memref<80xi32, #tpu.memory_space<vmem>>
      %dma_start3A_157 = arith.constant 0 : i32
      %dma_start3A_158 = arith.constant 0 : i32
      %dma_start3A_159 = tpu.memref_slice %arg2[%dma_start3A_157, %dma_start3A_158] : memref<10000x128xf32, #tpu.memory_space<hbm>> -> memref<10000x128xf32, #tpu.memory_space<hbm>>
      tpu.enqueue_indirect_dma source(%dma_start3A_159 : memref<10000x128xf32, #tpu.memory_space<hbm>>) target(%dma_start3A_153 : memref<80x128xf32, #tpu.memory_space<vmem>>) offsets(%dma_start3A_156 : memref<80xi32, #tpu.memory_space<vmem>>) semaphore(%arg12 : memref<!tpu.dma_semaphore, #tpu.memory_space<semaphore_mem>>)
      %dma_wait3A_160 = arith.constant 0 : i32
      %dma_wait3A_161 = arith.constant 0 : i32
      %dma_wait3A_162 = arith.constant 0 : i32
      %dma_wait3A_163 = tpu.memref_slice %arg8[%dma_wait3A_160, %dma_wait3A_161, %dma_wait3A_162] : memref<2x80x128xf32, #tpu.memory_space<vmem>> -> memref<1x80x128xf32, #tpu.memory_space<vmem>>
      %dma_wait3A_164 = tpu.memref_squeeze %dma_wait3A_163 : memref<1x80x128xf32, #tpu.memory_space<vmem>> -> memref<80x128xf32, #tpu.memory_space<vmem>>
      %dma_wait3A_165 = arith.constant 0 : i32
      %dma_wait3A_166 = tpu.memref_slice %arg6[%mul3A_146, %dma_wait3A_165] : memref<125x80xi32, #tpu.memory_space<vmem>> -> memref<1x80xi32, #tpu.memory_space<vmem>>
      %dma_wait3A_167 = tpu.memref_squeeze %dma_wait3A_166 : memref<1x80xi32, #tpu.memory_space<vmem>> -> memref<80xi32, #tpu.memory_space<vmem>>
      %dma_wait3A_168 = arith.constant 0 : i32
      %dma_wait3A_169 = arith.constant 0 : i32
      %dma_wait3A_170 = tpu.memref_slice %arg2[%dma_wait3A_168, %dma_wait3A_169] : memref<10000x128xf32, #tpu.memory_space<hbm>> -> memref<10000x128xf32, #tpu.memory_space<hbm>>
      tpu.wait_indirect_dma semaphore(%arg11 : memref<!tpu.dma_semaphore, #tpu.memory_space<semaphore_mem>>) src(%dma_wait3A_170 : memref<10000x128xf32, #tpu.memory_space<hbm>>) dst(%dma_wait3A_164 : memref<80x128xf32, #tpu.memory_space<vmem>>)
      %run_scoped3A_171 = arith.constant 0 : i32
      "tpu.region"() ({
        %run_scoped3A_193 = tpu.sem_alloc : memref<!tpu.dma_semaphore, #tpu.memory_space<semaphore_mem>>
        %dma_start3A_194 = arith.constant 0 : i32
        %dma_start3A_195 = arith.constant 0 : i32
        %dma_start3A_196 = tpu.memref_slice %arg8[%run_scoped3A_171, %dma_start3A_194, %dma_start3A_195] : memref<2x80x128xf32, #tpu.memory_space<vmem>> -> memref<1x80x128xf32, #tpu.memory_space<vmem>>
        %dma_start3A_197 = tpu.memref_squeeze %dma_start3A_196 : memref<1x80x128xf32, #tpu.memory_space<vmem>> -> memref<80x128xf32, #tpu.memory_space<vmem>>
        %dma_start3A_198 = arith.constant 0 : i32
        %dma_start3A_199 = tpu.memref_slice %arg7[%mul3A_146, %dma_start3A_198] : memref<125x80xi32, #tpu.memory_space<vmem>> -> memref<1x80xi32, #tpu.memory_space<vmem>>
        %dma_start3A_200 = tpu.memref_squeeze %dma_start3A_199 : memref<1x80xi32, #tpu.memory_space<vmem>> -> memref<80xi32, #tpu.memory_space<vmem>>
        %dma_start3A_201 = arith.constant 0 : i32
        %dma_start3A_202 = arith.constant 0 : i32
        %dma_start3A_203 = tpu.memref_slice %arg10[%dma_start3A_201, %dma_start3A_202] : memref<10000x128xf32, #tpu.memory_space<vmem_shared>> -> memref<10000x128xf32, #tpu.memory_space<vmem_shared>>
        tpu.enqueue_indirect_dma source(%dma_start3A_197 : memref<80x128xf32, #tpu.memory_space<vmem>>) target(%dma_start3A_203 : memref<10000x128xf32, #tpu.memory_space<vmem_shared>>) offsets(%dma_start3A_200 : memref<80xi32, #tpu.memory_space<vmem>>) semaphore(%run_scoped3A_193 : memref<!tpu.dma_semaphore, #tpu.memory_space<semaphore_mem>>) {add = true}
        %dma_wait3A_204 = arith.constant 0 : i32
        %dma_wait3A_205 = arith.constant 0 : i32
        %dma_wait3A_206 = tpu.memref_slice %arg8[%run_scoped3A_171, %dma_wait3A_204, %dma_wait3A_205] : memref<2x80x128xf32, #tpu.memory_space<vmem>> -> memref<1x80x128xf32, #tpu.memory_space<vmem>>
        %dma_wait3A_207 = tpu.memref_squeeze %dma_wait3A_206 : memref<1x80x128xf32, #tpu.memory_space<vmem>> -> memref<80x128xf32, #tpu.memory_space<vmem>>
        %dma_wait3A_208 = arith.constant 0 : i32
        %dma_wait3A_209 = tpu.memref_slice %arg7[%mul3A_146, %dma_wait3A_208] : memref<125x80xi32, #tpu.memory_space<vmem>> -> memref<1x80xi32, #tpu.memory_space<vmem>>
        %dma_wait3A_210 = tpu.memref_squeeze %dma_wait3A_209 : memref<1x80xi32, #tpu.memory_space<vmem>> -> memref<80xi32, #tpu.memory_space<vmem>>
        %dma_wait3A_211 = arith.constant 0 : i32
        %dma_wait3A_212 = arith.constant 0 : i32
        %dma_wait3A_213 = tpu.memref_slice %arg10[%dma_wait3A_211, %dma_wait3A_212] : memref<10000x128xf32, #tpu.memory_space<vmem_shared>> -> memref<10000x128xf32, #tpu.memory_space<vmem_shared>>
        tpu.wait_indirect_dma semaphore(%run_scoped3A_193 : memref<!tpu.dma_semaphore, #tpu.memory_space<semaphore_mem>>) src(%dma_wait3A_207 : memref<80x128xf32, #tpu.memory_space<vmem>>) dst(%dma_wait3A_213 : memref<10000x128xf32, #tpu.memory_space<vmem_shared>>)
        tpu.yield
      }) : () -> ()
      %add3A_172 = arith.constant 2 : i32
      %add3A_173 = arith.addi %mul3A_146, %add3A_172 : i32
      %lt3A = arith.constant 125 : i32
      %lt3A_174 = arith.cmpi slt, %add3A_173, %lt3A : i32
      %convert_element_type3A = arith.extui %lt3A_174 : i1 to i32
      %cond3A = arith.constant 0 : i32
      %cond3A_175 = arith.cmpi ne, %convert_element_type3A, %cond3A : i32
      scf.if %cond3A_175 {
        %add3A_193 = arith.constant 2 : i32
        %add3A_194 = arith.addi %mul3A_146, %add3A_193 : i32
        %dma_start3A_195 = arith.constant 0 : i32
        %dma_start3A_196 = arith.constant 0 : i32
        %dma_start3A_197 = arith.constant 0 : i32
        %dma_start3A_198 = tpu.memref_slice %arg8[%dma_start3A_195, %dma_start3A_196, %dma_start3A_197] : memref<2x80x128xf32, #tpu.memory_space<vmem>> -> memref<1x80x128xf32, #tpu.memory_space<vmem>>
        %dma_start3A_199 = tpu.memref_squeeze %dma_start3A_198 : memref<1x80x128xf32, #tpu.memory_space<vmem>> -> memref<80x128xf32, #tpu.memory_space<vmem>>
        %dma_start3A_200 = arith.constant 0 : i32
        %dma_start3A_201 = tpu.memref_slice %arg6[%add3A_194, %dma_start3A_200] : memref<125x80xi32, #tpu.memory_space<vmem>> -> memref<1x80xi32, #tpu.memory_space<vmem>>
        %dma_start3A_202 = tpu.memref_squeeze %dma_start3A_201 : memref<1x80xi32, #tpu.memory_space<vmem>> -> memref<80xi32, #tpu.memory_space<vmem>>
        %dma_start3A_203 = arith.constant 0 : i32
        %dma_start3A_204 = arith.constant 0 : i32
        %dma_start3A_205 = tpu.memref_slice %arg2[%dma_start3A_203, %dma_start3A_204] : memref<10000x128xf32, #tpu.memory_space<hbm>> -> memref<10000x128xf32, #tpu.memory_space<hbm>>
        tpu.enqueue_indirect_dma source(%dma_start3A_205 : memref<10000x128xf32, #tpu.memory_space<hbm>>) target(%dma_start3A_199 : memref<80x128xf32, #tpu.memory_space<vmem>>) offsets(%dma_start3A_202 : memref<80xi32, #tpu.memory_space<vmem>>) semaphore(%arg11 : memref<!tpu.dma_semaphore, #tpu.memory_space<semaphore_mem>>)
      } else {
      }
      %add3A_176 = arith.constant 1 : i32
      %add3A_177 = arith.addi %mul3A_146, %add3A_176 : i32
      %dma_wait3A_178 = arith.constant 1 : i32
      %dma_wait3A_179 = arith.constant 0 : i32
      %dma_wait3A_180 = arith.constant 0 : i32
      %dma_wait3A_181 = tpu.memref_slice %arg8[%dma_wait3A_178, %dma_wait3A_179, %dma_wait3A_180] : memref<2x80x128xf32, #tpu.memory_space<vmem>> -> memref<1x80x128xf32, #tpu.memory_space<vmem>>
      %dma_wait3A_182 = tpu.memref_squeeze %dma_wait3A_181 : memref<1x80x128xf32, #tpu.memory_space<vmem>> -> memref<80x128xf32, #tpu.memory_space<vmem>>
      %dma_wait3A_183 = arith.constant 0 : i32
      %dma_wait3A_184 = tpu.memref_slice %arg6[%add3A_177, %dma_wait3A_183] : memref<125x80xi32, #tpu.memory_space<vmem>> -> memref<1x80xi32, #tpu.memory_space<vmem>>
      %dma_wait3A_185 = tpu.memref_squeeze %dma_wait3A_184 : memref<1x80xi32, #tpu.memory_space<vmem>> -> memref<80xi32, #tpu.memory_space<vmem>>
      %dma_wait3A_186 = arith.constant 0 : i32
      %dma_wait3A_187 = arith.constant 0 : i32
      %dma_wait3A_188 = tpu.memref_slice %arg2[%dma_wait3A_186, %dma_wait3A_187] : memref<10000x128xf32, #tpu.memory_space<hbm>> -> memref<10000x128xf32, #tpu.memory_space<hbm>>
      tpu.wait_indirect_dma semaphore(%arg12 : memref<!tpu.dma_semaphore, #tpu.memory_space<semaphore_mem>>) src(%dma_wait3A_188 : memref<10000x128xf32, #tpu.memory_space<hbm>>) dst(%dma_wait3A_182 : memref<80x128xf32, #tpu.memory_space<vmem>>)
      %add3A_189 = arith.constant 1 : i32
      %add3A_190 = arith.addi %mul3A_146, %add3A_189 : i32
      %run_scoped3A_191 = arith.constant 1 : i32
      "tpu.region"() ({
        %run_scoped3A_193 = tpu.sem_alloc : memref<!tpu.dma_semaphore, #tpu.memory_space<semaphore_mem>>
        %dma_start3A_194 = arith.constant 0 : i32
        %dma_start3A_195 = arith.constant 0 : i32
        %dma_start3A_196 = tpu.memref_slice %arg8[%run_scoped3A_191, %dma_start3A_194, %dma_start3A_195] : memref<2x80x128xf32, #tpu.memory_space<vmem>> -> memref<1x80x128xf32, #tpu.memory_space<vmem>>
        %dma_start3A_197 = tpu.memref_squeeze %dma_start3A_196 : memref<1x80x128xf32, #tpu.memory_space<vmem>> -> memref<80x128xf32, #tpu.memory_space<vmem>>
        %dma_start3A_198 = arith.constant 0 : i32
        %dma_start3A_199 = tpu.memref_slice %arg7[%add3A_190, %dma_start3A_198] : memref<125x80xi32, #tpu.memory_space<vmem>> -> memref<1x80xi32, #tpu.memory_space<vmem>>
        %dma_start3A_200 = tpu.memref_squeeze %dma_start3A_199 : memref<1x80xi32, #tpu.memory_space<vmem>> -> memref<80xi32, #tpu.memory_space<vmem>>
        %dma_start3A_201 = arith.constant 0 : i32
        %dma_start3A_202 = arith.constant 0 : i32
        %dma_start3A_203 = tpu.memref_slice %arg10[%dma_start3A_201, %dma_start3A_202] : memref<10000x128xf32, #tpu.memory_space<vmem_shared>> -> memref<10000x128xf32, #tpu.memory_space<vmem_shared>>
        tpu.enqueue_indirect_dma source(%dma_start3A_197 : memref<80x128xf32, #tpu.memory_space<vmem>>) target(%dma_start3A_203 : memref<10000x128xf32, #tpu.memory_space<vmem_shared>>) offsets(%dma_start3A_200 : memref<80xi32, #tpu.memory_space<vmem>>) semaphore(%run_scoped3A_193 : memref<!tpu.dma_semaphore, #tpu.memory_space<semaphore_mem>>) {add = true}
        %dma_wait3A_204 = arith.constant 0 : i32
        %dma_wait3A_205 = arith.constant 0 : i32
        %dma_wait3A_206 = tpu.memref_slice %arg8[%run_scoped3A_191, %dma_wait3A_204, %dma_wait3A_205] : memref<2x80x128xf32, #tpu.memory_space<vmem>> -> memref<1x80x128xf32, #tpu.memory_space<vmem>>
        %dma_wait3A_207 = tpu.memref_squeeze %dma_wait3A_206 : memref<1x80x128xf32, #tpu.memory_space<vmem>> -> memref<80x128xf32, #tpu.memory_space<vmem>>
        %dma_wait3A_208 = arith.constant 0 : i32
        %dma_wait3A_209 = tpu.memref_slice %arg7[%add3A_190, %dma_wait3A_208] : memref<125x80xi32, #tpu.memory_space<vmem>> -> memref<1x80xi32, #tpu.memory_space<vmem>>
        %dma_wait3A_210 = tpu.memref_squeeze %dma_wait3A_209 : memref<1x80xi32, #tpu.memory_space<vmem>> -> memref<80xi32, #tpu.memory_space<vmem>>
        %dma_wait3A_211 = arith.constant 0 : i32
        %dma_wait3A_212 = arith.constant 0 : i32
        %dma_wait3A_213 = tpu.memref_slice %arg10[%dma_wait3A_211, %dma_wait3A_212] : memref<10000x128xf32, #tpu.memory_space<vmem_shared>> -> memref<10000x128xf32, #tpu.memory_space<vmem_shared>>
        tpu.wait_indirect_dma semaphore(%run_scoped3A_193 : memref<!tpu.dma_semaphore, #tpu.memory_space<semaphore_mem>>) src(%dma_wait3A_207 : memref<80x128xf32, #tpu.memory_space<vmem>>) dst(%dma_wait3A_213 : memref<10000x128xf32, #tpu.memory_space<vmem_shared>>)
        tpu.yield
      }) : () -> ()
      %scan3A_192 = arith.constant 0 : i32
      scf.yield %scan3A_192 : i32
    }
    %scan3A_79 = arith.constant 62 : i32
    %dma_wait3A = arith.constant 124 : i32
    %dma_wait3A_80 = arith.constant 0 : i32
    %dma_wait3A_81 = arith.constant 0 : i32
    %dma_wait3A_82 = arith.constant 0 : i32
    %dma_wait3A_83 = tpu.memref_slice %arg8[%dma_wait3A_80, %dma_wait3A_81, %dma_wait3A_82] : memref<2x80x128xf32, #tpu.memory_space<vmem>> -> memref<1x80x128xf32, #tpu.memory_space<vmem>>
    %dma_wait3A_84 = tpu.memref_squeeze %dma_wait3A_83 : memref<1x80x128xf32, #tpu.memory_space<vmem>> -> memref<80x128xf32, #tpu.memory_space<vmem>>
    %dma_wait3A_85 = arith.constant 0 : i32
    %dma_wait3A_86 = tpu.memref_slice %arg6[%dma_wait3A, %dma_wait3A_85] : memref<125x80xi32, #tpu.memory_space<vmem>> -> memref<1x80xi32, #tpu.memory_space<vmem>>
    %dma_wait3A_87 = tpu.memref_squeeze %dma_wait3A_86 : memref<1x80xi32, #tpu.memory_space<vmem>> -> memref<80xi32, #tpu.memory_space<vmem>>
    %dma_wait3A_88 = arith.constant 0 : i32
    %dma_wait3A_89 = arith.constant 0 : i32
    %dma_wait3A_90 = tpu.memref_slice %arg2[%dma_wait3A_88, %dma_wait3A_89] : memref<10000x128xf32, #tpu.memory_space<hbm>> -> memref<10000x128xf32, #tpu.memory_space<hbm>>
    tpu.wait_indirect_dma semaphore(%arg11 : memref<!tpu.dma_semaphore, #tpu.memory_space<semaphore_mem>>) src(%dma_wait3A_90 : memref<10000x128xf32, #tpu.memory_space<hbm>>) dst(%dma_wait3A_84 : memref<80x128xf32, #tpu.memory_space<vmem>>)
    %run_scoped3A = arith.constant 0 : i32
    %run_scoped3A_91 = arith.constant 124 : i32
    "tpu.region"() ({
      %run_scoped3A_143 = tpu.sem_alloc : memref<!tpu.dma_semaphore, #tpu.memory_space<semaphore_mem>>
      %dma_start3A_144 = arith.constant 0 : i32
      %dma_start3A_145 = arith.constant 0 : i32
      %dma_start3A_146 = tpu.memref_slice %arg8[%run_scoped3A, %dma_start3A_144, %dma_start3A_145] : memref<2x80x128xf32, #tpu.memory_space<vmem>> -> memref<1x80x128xf32, #tpu.memory_space<vmem>>
      %dma_start3A_147 = tpu.memref_squeeze %dma_start3A_146 : memref<1x80x128xf32, #tpu.memory_space<vmem>> -> memref<80x128xf32, #tpu.memory_space<vmem>>
      %dma_start3A_148 = arith.constant 0 : i32
      %dma_start3A_149 = tpu.memref_slice %arg7[%run_scoped3A_91, %dma_start3A_148] : memref<125x80xi32, #tpu.memory_space<vmem>> -> memref<1x80xi32, #tpu.memory_space<vmem>>
      %dma_start3A_150 = tpu.memref_squeeze %dma_start3A_149 : memref<1x80xi32, #tpu.memory_space<vmem>> -> memref<80xi32, #tpu.memory_space<vmem>>
      %dma_start3A_151 = arith.constant 0 : i32
      %dma_start3A_152 = arith.constant 0 : i32
      %dma_start3A_153 = tpu.memref_slice %arg10[%dma_start3A_151, %dma_start3A_152] : memref<10000x128xf32, #tpu.memory_space<vmem_shared>> -> memref<10000x128xf32, #tpu.memory_space<vmem_shared>>
      tpu.enqueue_indirect_dma source(%dma_start3A_147 : memref<80x128xf32, #tpu.memory_space<vmem>>) target(%dma_start3A_153 : memref<10000x128xf32, #tpu.memory_space<vmem_shared>>) offsets(%dma_start3A_150 : memref<80xi32, #tpu.memory_space<vmem>>) semaphore(%run_scoped3A_143 : memref<!tpu.dma_semaphore, #tpu.memory_space<semaphore_mem>>) {add = true}
      %dma_wait3A_154 = arith.constant 0 : i32
      %dma_wait3A_155 = arith.constant 0 : i32
      %dma_wait3A_156 = tpu.memref_slice %arg8[%run_scoped3A, %dma_wait3A_154, %dma_wait3A_155] : memref<2x80x128xf32, #tpu.memory_space<vmem>> -> memref<1x80x128xf32, #tpu.memory_space<vmem>>
      %dma_wait3A_157 = tpu.memref_squeeze %dma_wait3A_156 : memref<1x80x128xf32, #tpu.memory_space<vmem>> -> memref<80x128xf32, #tpu.memory_space<vmem>>
      %dma_wait3A_158 = arith.constant 0 : i32
      %dma_wait3A_159 = tpu.memref_slice %arg7[%run_scoped3A_91, %dma_wait3A_158] : memref<125x80xi32, #tpu.memory_space<vmem>> -> memref<1x80xi32, #tpu.memory_space<vmem>>
      %dma_wait3A_160 = tpu.memref_squeeze %dma_wait3A_159 : memref<1x80xi32, #tpu.memory_space<vmem>> -> memref<80xi32, #tpu.memory_space<vmem>>
      %dma_wait3A_161 = arith.constant 0 : i32
      %dma_wait3A_162 = arith.constant 0 : i32
      %dma_wait3A_163 = tpu.memref_slice %arg10[%dma_wait3A_161, %dma_wait3A_162] : memref<10000x128xf32, #tpu.memory_space<vmem_shared>> -> memref<10000x128xf32, #tpu.memory_space<vmem_shared>>
      tpu.wait_indirect_dma semaphore(%run_scoped3A_143 : memref<!tpu.dma_semaphore, #tpu.memory_space<semaphore_mem>>) src(%dma_wait3A_157 : memref<80x128xf32, #tpu.memory_space<vmem>>) dst(%dma_wait3A_163 : memref<10000x128xf32, #tpu.memory_space<vmem_shared>>)
      tpu.yield
    }) : () -> ()
    %barrier3A_92 = arith.constant 0 : index
    tpu.barrier barrier_id(%barrier3A_92)
    %add3A_93 = arith.constant 0 : i32
    %add3A_94 = arith.addi %mul3A_4, %add3A_93 : i32
    "tpu.region"() ({
      %run_scoped3A_143 = tpu.sem_alloc : memref<!tpu.dma_semaphore, #tpu.memory_space<semaphore_mem>>
      %dma_start3A_144 = arith.constant 0 : i32
      %dma_start3A_145 = tpu.memref_slice %arg5[%arg0, %add3A_94, %dma_start3A_144] : memref<2x10000x128xf32, #tpu.memory_space<hbm>> -> memref<1x25x128xf32, #tpu.memory_space<hbm>>
      %dma_start3A_146 = tpu.memref_squeeze %dma_start3A_145 : memref<1x25x128xf32, #tpu.memory_space<hbm>> -> memref<25x128xf32, #tpu.memory_space<hbm>>
      %dma_start3A_147 = arith.constant 0 : i32
      %dma_start3A_148 = tpu.memref_slice %arg10[%add3A_94, %dma_start3A_147] : memref<10000x128xf32, #tpu.memory_space<vmem_shared>> -> memref<25x128xf32, #tpu.memory_space<vmem_shared>>
      tpu.enqueue_dma source(%dma_start3A_148 : memref<25x128xf32, #tpu.memory_space<vmem_shared>>) target(%dma_start3A_146 : memref<25x128xf32, #tpu.memory_space<hbm>>) target_semaphore(%run_scoped3A_143 : memref<!tpu.dma_semaphore, #tpu.memory_space<semaphore_mem>>)
      %dma_wait3A_149 = arith.constant 0 : i32
      %dma_wait3A_150 = tpu.memref_slice %arg5[%arg0, %add3A_94, %dma_wait3A_149] : memref<2x10000x128xf32, #tpu.memory_space<hbm>> -> memref<1x25x128xf32, #tpu.memory_space<hbm>>
      %dma_wait3A_151 = tpu.memref_squeeze %dma_wait3A_150 : memref<1x25x128xf32, #tpu.memory_space<hbm>> -> memref<25x128xf32, #tpu.memory_space<hbm>>
      %dma_wait3A_152 = arith.constant 0 : i32
      %dma_wait3A_153 = tpu.memref_slice %arg10[%add3A_94, %dma_wait3A_152] : memref<10000x128xf32, #tpu.memory_space<vmem_shared>> -> memref<25x128xf32, #tpu.memory_space<vmem_shared>>
      tpu.wait_dma2 semaphore(%run_scoped3A_143 : memref<!tpu.dma_semaphore, #tpu.memory_space<semaphore_mem>>) src(%dma_wait3A_153 : memref<25x128xf32, #tpu.memory_space<vmem_shared>>) dst(%dma_wait3A_151 : memref<25x128xf32, #tpu.memory_space<hbm>>)
      tpu.yield
    }) : () -> ()
    %add3A_95 = arith.constant 25 : i32
    %add3A_96 = arith.addi %mul3A_4, %add3A_95 : i32
    "tpu.region"() ({
      %run_scoped3A_143 = tpu.sem_alloc : memref<!tpu.dma_semaphore, #tpu.memory_space<semaphore_mem>>
      %dma_start3A_144 = arith.constant 0 : i32
      %dma_start3A_145 = tpu.memref_slice %arg5[%arg0, %add3A_96, %dma_start3A_144] : memref<2x10000x128xf32, #tpu.memory_space<hbm>> -> memref<1x25x128xf32, #tpu.memory_space<hbm>>
      %dma_start3A_146 = tpu.memref_squeeze %dma_start3A_145 : memref<1x25x128xf32, #tpu.memory_space<hbm>> -> memref<25x128xf32, #tpu.memory_space<hbm>>
      %dma_start3A_147 = arith.constant 0 : i32
      %dma_start3A_148 = tpu.memref_slice %arg10[%add3A_96, %dma_start3A_147] : memref<10000x128xf32, #tpu.memory_space<vmem_shared>> -> memref<25x128xf32, #tpu.memory_space<vmem_shared>>
      tpu.enqueue_dma source(%dma_start3A_148 : memref<25x128xf32, #tpu.memory_space<vmem_shared>>) target(%dma_start3A_146 : memref<25x128xf32, #tpu.memory_space<hbm>>) target_semaphore(%run_scoped3A_143 : memref<!tpu.dma_semaphore, #tpu.memory_space<semaphore_mem>>)
      %dma_wait3A_149 = arith.constant 0 : i32
      %dma_wait3A_150 = tpu.memref_slice %arg5[%arg0, %add3A_96, %dma_wait3A_149] : memref<2x10000x128xf32, #tpu.memory_space<hbm>> -> memref<1x25x128xf32, #tpu.memory_space<hbm>>
      %dma_wait3A_151 = tpu.memref_squeeze %dma_wait3A_150 : memref<1x25x128xf32, #tpu.memory_space<hbm>> -> memref<25x128xf32, #tpu.memory_space<hbm>>
      %dma_wait3A_152 = arith.constant 0 : i32
      %dma_wait3A_153 = tpu.memref_slice %arg10[%add3A_96, %dma_wait3A_152] : memref<10000x128xf32, #tpu.memory_space<vmem_shared>> -> memref<25x128xf32, #tpu.memory_space<vmem_shared>>
      tpu.wait_dma2 semaphore(%run_scoped3A_143 : memref<!tpu.dma_semaphore, #tpu.memory_space<semaphore_mem>>) src(%dma_wait3A_153 : memref<25x128xf32, #tpu.memory_space<vmem_shared>>) dst(%dma_wait3A_151 : memref<25x128xf32, #tpu.memory_space<hbm>>)
      tpu.yield
    }) : () -> ()
    %add3A_97 = arith.constant 50 : i32
    %add3A_98 = arith.addi %mul3A_4, %add3A_97 : i32
    "tpu.region"() ({
      %run_scoped3A_143 = tpu.sem_alloc : memref<!tpu.dma_semaphore, #tpu.memory_space<semaphore_mem>>
      %dma_start3A_144 = arith.constant 0 : i32
      %dma_start3A_145 = tpu.memref_slice %arg5[%arg0, %add3A_98, %dma_start3A_144] : memref<2x10000x128xf32, #tpu.memory_space<hbm>> -> memref<1x25x128xf32, #tpu.memory_space<hbm>>
      %dma_start3A_146 = tpu.memref_squeeze %dma_start3A_145 : memref<1x25x128xf32, #tpu.memory_space<hbm>> -> memref<25x128xf32, #tpu.memory_space<hbm>>
      %dma_start3A_147 = arith.constant 0 : i32
      %dma_start3A_148 = tpu.memref_slice %arg10[%add3A_98, %dma_start3A_147] : memref<10000x128xf32, #tpu.memory_space<vmem_shared>> -> memref<25x128xf32, #tpu.memory_space<vmem_shared>>
      tpu.enqueue_dma source(%dma_start3A_148 : memref<25x128xf32, #tpu.memory_space<vmem_shared>>) target(%dma_start3A_146 : memref<25x128xf32, #tpu.memory_space<hbm>>) target_semaphore(%run_scoped3A_143 : memref<!tpu.dma_semaphore, #tpu.memory_space<semaphore_mem>>)
      %dma_wait3A_149 = arith.constant 0 : i32
      %dma_wait3A_150 = tpu.memref_slice %arg5[%arg0, %add3A_98, %dma_wait3A_149] : memref<2x10000x128xf32, #tpu.memory_space<hbm>> -> memref<1x25x128xf32, #tpu.memory_space<hbm>>
      %dma_wait3A_151 = tpu.memref_squeeze %dma_wait3A_150 : memref<1x25x128xf32, #tpu.memory_space<hbm>> -> memref<25x128xf32, #tpu.memory_space<hbm>>
      %dma_wait3A_152 = arith.constant 0 : i32
      %dma_wait3A_153 = tpu.memref_slice %arg10[%add3A_98, %dma_wait3A_152] : memref<10000x128xf32, #tpu.memory_space<vmem_shared>> -> memref<25x128xf32, #tpu.memory_space<vmem_shared>>
      tpu.wait_dma2 semaphore(%run_scoped3A_143 : memref<!tpu.dma_semaphore, #tpu.memory_space<semaphore_mem>>) src(%dma_wait3A_153 : memref<25x128xf32, #tpu.memory_space<vmem_shared>>) dst(%dma_wait3A_151 : memref<25x128xf32, #tpu.memory_space<hbm>>)
      tpu.yield
    }) : () -> ()
    %add3A_99 = arith.constant 75 : i32
    %add3A_100 = arith.addi %mul3A_4, %add3A_99 : i32
    "tpu.region"() ({
      %run_scoped3A_143 = tpu.sem_alloc : memref<!tpu.dma_semaphore, #tpu.memory_space<semaphore_mem>>
      %dma_start3A_144 = arith.constant 0 : i32
      %dma_start3A_145 = tpu.memref_slice %arg5[%arg0, %add3A_100, %dma_start3A_144] : memref<2x10000x128xf32, #tpu.memory_space<hbm>> -> memref<1x25x128xf32, #tpu.memory_space<hbm>>
      %dma_start3A_146 = tpu.memref_squeeze %dma_start3A_145 : memref<1x25x128xf32, #tpu.memory_space<hbm>> -> memref<25x128xf32, #tpu.memory_space<hbm>>
      %dma_start3A_147 = arith.constant 0 : i32
      %dma_start3A_148 = tpu.memref_slice %arg10[%add3A_100, %dma_start3A_147] : memref<10000x128xf32, #tpu.memory_space<vmem_shared>> -> memref<25x128xf32, #tpu.memory_space<vmem_shared>>
      tpu.enqueue_dma source(%dma_start3A_148 : memref<25x128xf32, #tpu.memory_space<vmem_shared>>) target(%dma_start3A_146 : memref<25x128xf32, #tpu.memory_space<hbm>>) target_semaphore(%run_scoped3A_143 : memref<!tpu.dma_semaphore, #tpu.memory_space<semaphore_mem>>)
      %dma_wait3A_149 = arith.constant 0 : i32
      %dma_wait3A_150 = tpu.memref_slice %arg5[%arg0, %add3A_100, %dma_wait3A_149] : memref<2x10000x128xf32, #tpu.memory_space<hbm>> -> memref<1x25x128xf32, #tpu.memory_space<hbm>>
      %dma_wait3A_151 = tpu.memref_squeeze %dma_wait3A_150 : memref<1x25x128xf32, #tpu.memory_space<hbm>> -> memref<25x128xf32, #tpu.memory_space<hbm>>
      %dma_wait3A_152 = arith.constant 0 : i32
      %dma_wait3A_153 = tpu.memref_slice %arg10[%add3A_100, %dma_wait3A_152] : memref<10000x128xf32, #tpu.memory_space<vmem_shared>> -> memref<25x128xf32, #tpu.memory_space<vmem_shared>>
      tpu.wait_dma2 semaphore(%run_scoped3A_143 : memref<!tpu.dma_semaphore, #tpu.memory_space<semaphore_mem>>) src(%dma_wait3A_153 : memref<25x128xf32, #tpu.memory_space<vmem_shared>>) dst(%dma_wait3A_151 : memref<25x128xf32, #tpu.memory_space<hbm>>)
      tpu.yield
    }) : () -> ()
    %add3A_101 = arith.constant 100 : i32
    %add3A_102 = arith.addi %mul3A_4, %add3A_101 : i32
    "tpu.region"() ({
      %run_scoped3A_143 = tpu.sem_alloc : memref<!tpu.dma_semaphore, #tpu.memory_space<semaphore_mem>>
      %dma_start3A_144 = arith.constant 0 : i32
      %dma_start3A_145 = tpu.memref_slice %arg5[%arg0, %add3A_102, %dma_start3A_144] : memref<2x10000x128xf32, #tpu.memory_space<hbm>> -> memref<1x25x128xf32, #tpu.memory_space<hbm>>
      %dma_start3A_146 = tpu.memref_squeeze %dma_start3A_145 : memref<1x25x128xf32, #tpu.memory_space<hbm>> -> memref<25x128xf32, #tpu.memory_space<hbm>>
      %dma_start3A_147 = arith.constant 0 : i32
      %dma_start3A_148 = tpu.memref_slice %arg10[%add3A_102, %dma_start3A_147] : memref<10000x128xf32, #tpu.memory_space<vmem_shared>> -> memref<25x128xf32, #tpu.memory_space<vmem_shared>>
      tpu.enqueue_dma source(%dma_start3A_148 : memref<25x128xf32, #tpu.memory_space<vmem_shared>>) target(%dma_start3A_146 : memref<25x128xf32, #tpu.memory_space<hbm>>) target_semaphore(%run_scoped3A_143 : memref<!tpu.dma_semaphore, #tpu.memory_space<semaphore_mem>>)
      %dma_wait3A_149 = arith.constant 0 : i32
      %dma_wait3A_150 = tpu.memref_slice %arg5[%arg0, %add3A_102, %dma_wait3A_149] : memref<2x10000x128xf32, #tpu.memory_space<hbm>> -> memref<1x25x128xf32, #tpu.memory_space<hbm>>
      %dma_wait3A_151 = tpu.memref_squeeze %dma_wait3A_150 : memref<1x25x128xf32, #tpu.memory_space<hbm>> -> memref<25x128xf32, #tpu.memory_space<hbm>>
      %dma_wait3A_152 = arith.constant 0 : i32
      %dma_wait3A_153 = tpu.memref_slice %arg10[%add3A_102, %dma_wait3A_152] : memref<10000x128xf32, #tpu.memory_space<vmem_shared>> -> memref<25x128xf32, #tpu.memory_space<vmem_shared>>
      tpu.wait_dma2 semaphore(%run_scoped3A_143 : memref<!tpu.dma_semaphore, #tpu.memory_space<semaphore_mem>>) src(%dma_wait3A_153 : memref<25x128xf32, #tpu.memory_space<vmem_shared>>) dst(%dma_wait3A_151 : memref<25x128xf32, #tpu.memory_space<hbm>>)
      tpu.yield
    }) : () -> ()
    %add3A_103 = arith.constant 125 : i32
    %add3A_104 = arith.addi %mul3A_4, %add3A_103 : i32
    "tpu.region"() ({
      %run_scoped3A_143 = tpu.sem_alloc : memref<!tpu.dma_semaphore, #tpu.memory_space<semaphore_mem>>
      %dma_start3A_144 = arith.constant 0 : i32
      %dma_start3A_145 = tpu.memref_slice %arg5[%arg0, %add3A_104, %dma_start3A_144] : memref<2x10000x128xf32, #tpu.memory_space<hbm>> -> memref<1x25x128xf32, #tpu.memory_space<hbm>>
      %dma_start3A_146 = tpu.memref_squeeze %dma_start3A_145 : memref<1x25x128xf32, #tpu.memory_space<hbm>> -> memref<25x128xf32, #tpu.memory_space<hbm>>
      %dma_start3A_147 = arith.constant 0 : i32
      %dma_start3A_148 = tpu.memref_slice %arg10[%add3A_104, %dma_start3A_147] : memref<10000x128xf32, #tpu.memory_space<vmem_shared>> -> memref<25x128xf32, #tpu.memory_space<vmem_shared>>
      tpu.enqueue_dma source(%dma_start3A_148 : memref<25x128xf32, #tpu.memory_space<vmem_shared>>) target(%dma_start3A_146 : memref<25x128xf32, #tpu.memory_space<hbm>>) target_semaphore(%run_scoped3A_143 : memref<!tpu.dma_semaphore, #tpu.memory_space<semaphore_mem>>)
      %dma_wait3A_149 = arith.constant 0 : i32
      %dma_wait3A_150 = tpu.memref_slice %arg5[%arg0, %add3A_104, %dma_wait3A_149] : memref<2x10000x128xf32, #tpu.memory_space<hbm>> -> memref<1x25x128xf32, #tpu.memory_space<hbm>>
      %dma_wait3A_151 = tpu.memref_squeeze %dma_wait3A_150 : memref<1x25x128xf32, #tpu.memory_space<hbm>> -> memref<25x128xf32, #tpu.memory_space<hbm>>
      %dma_wait3A_152 = arith.constant 0 : i32
      %dma_wait3A_153 = tpu.memref_slice %arg10[%add3A_104, %dma_wait3A_152] : memref<10000x128xf32, #tpu.memory_space<vmem_shared>> -> memref<25x128xf32, #tpu.memory_space<vmem_shared>>
      tpu.wait_dma2 semaphore(%run_scoped3A_143 : memref<!tpu.dma_semaphore, #tpu.memory_space<semaphore_mem>>) src(%dma_wait3A_153 : memref<25x128xf32, #tpu.memory_space<vmem_shared>>) dst(%dma_wait3A_151 : memref<25x128xf32, #tpu.memory_space<hbm>>)
      tpu.yield
    }) : () -> ()
    %add3A_105 = arith.constant 150 : i32
    %add3A_106 = arith.addi %mul3A_4, %add3A_105 : i32
    "tpu.region"() ({
      %run_scoped3A_143 = tpu.sem_alloc : memref<!tpu.dma_semaphore, #tpu.memory_space<semaphore_mem>>
      %dma_start3A_144 = arith.constant 0 : i32
      %dma_start3A_145 = tpu.memref_slice %arg5[%arg0, %add3A_106, %dma_start3A_144] : memref<2x10000x128xf32, #tpu.memory_space<hbm>> -> memref<1x25x128xf32, #tpu.memory_space<hbm>>
      %dma_start3A_146 = tpu.memref_squeeze %dma_start3A_145 : memref<1x25x128xf32, #tpu.memory_space<hbm>> -> memref<25x128xf32, #tpu.memory_space<hbm>>
      %dma_start3A_147 = arith.constant 0 : i32
      %dma_start3A_148 = tpu.memref_slice %arg10[%add3A_106, %dma_start3A_147] : memref<10000x128xf32, #tpu.memory_space<vmem_shared>> -> memref<25x128xf32, #tpu.memory_space<vmem_shared>>
      tpu.enqueue_dma source(%dma_start3A_148 : memref<25x128xf32, #tpu.memory_space<vmem_shared>>) target(%dma_start3A_146 : memref<25x128xf32, #tpu.memory_space<hbm>>) target_semaphore(%run_scoped3A_143 : memref<!tpu.dma_semaphore, #tpu.memory_space<semaphore_mem>>)
      %dma_wait3A_149 = arith.constant 0 : i32
      %dma_wait3A_150 = tpu.memref_slice %arg5[%arg0, %add3A_106, %dma_wait3A_149] : memref<2x10000x128xf32, #tpu.memory_space<hbm>> -> memref<1x25x128xf32, #tpu.memory_space<hbm>>
      %dma_wait3A_151 = tpu.memref_squeeze %dma_wait3A_150 : memref<1x25x128xf32, #tpu.memory_space<hbm>> -> memref<25x128xf32, #tpu.memory_space<hbm>>
      %dma_wait3A_152 = arith.constant 0 : i32
      %dma_wait3A_153 = tpu.memref_slice %arg10[%add3A_106, %dma_wait3A_152] : memref<10000x128xf32, #tpu.memory_space<vmem_shared>> -> memref<25x128xf32, #tpu.memory_space<vmem_shared>>
      tpu.wait_dma2 semaphore(%run_scoped3A_143 : memref<!tpu.dma_semaphore, #tpu.memory_space<semaphore_mem>>) src(%dma_wait3A_153 : memref<25x128xf32, #tpu.memory_space<vmem_shared>>) dst(%dma_wait3A_151 : memref<25x128xf32, #tpu.memory_space<hbm>>)
      tpu.yield
    }) : () -> ()
    %add3A_107 = arith.constant 175 : i32
    %add3A_108 = arith.addi %mul3A_4, %add3A_107 : i32
    "tpu.region"() ({
      %run_scoped3A_143 = tpu.sem_alloc : memref<!tpu.dma_semaphore, #tpu.memory_space<semaphore_mem>>
      %dma_start3A_144 = arith.constant 0 : i32
      %dma_start3A_145 = tpu.memref_slice %arg5[%arg0, %add3A_108, %dma_start3A_144] : memref<2x10000x128xf32, #tpu.memory_space<hbm>> -> memref<1x25x128xf32, #tpu.memory_space<hbm>>
      %dma_start3A_146 = tpu.memref_squeeze %dma_start3A_145 : memref<1x25x128xf32, #tpu.memory_space<hbm>> -> memref<25x128xf32, #tpu.memory_space<hbm>>
      %dma_start3A_147 = arith.constant 0 : i32
      %dma_start3A_148 = tpu.memref_slice %arg10[%add3A_108, %dma_start3A_147] : memref<10000x128xf32, #tpu.memory_space<vmem_shared>> -> memref<25x128xf32, #tpu.memory_space<vmem_shared>>
      tpu.enqueue_dma source(%dma_start3A_148 : memref<25x128xf32, #tpu.memory_space<vmem_shared>>) target(%dma_start3A_146 : memref<25x128xf32, #tpu.memory_space<hbm>>) target_semaphore(%run_scoped3A_143 : memref<!tpu.dma_semaphore, #tpu.memory_space<semaphore_mem>>)
      %dma_wait3A_149 = arith.constant 0 : i32
      %dma_wait3A_150 = tpu.memref_slice %arg5[%arg0, %add3A_108, %dma_wait3A_149] : memref<2x10000x128xf32, #tpu.memory_space<hbm>> -> memref<1x25x128xf32, #tpu.memory_space<hbm>>
      %dma_wait3A_151 = tpu.memref_squeeze %dma_wait3A_150 : memref<1x25x128xf32, #tpu.memory_space<hbm>> -> memref<25x128xf32, #tpu.memory_space<hbm>>
      %dma_wait3A_152 = arith.constant 0 : i32
      %dma_wait3A_153 = tpu.memref_slice %arg10[%add3A_108, %dma_wait3A_152] : memref<10000x128xf32, #tpu.memory_space<vmem_shared>> -> memref<25x128xf32, #tpu.memory_space<vmem_shared>>
      tpu.wait_dma2 semaphore(%run_scoped3A_143 : memref<!tpu.dma_semaphore, #tpu.memory_space<semaphore_mem>>) src(%dma_wait3A_153 : memref<25x128xf32, #tpu.memory_space<vmem_shared>>) dst(%dma_wait3A_151 : memref<25x128xf32, #tpu.memory_space<hbm>>)
      tpu.yield
    }) : () -> ()
    %add3A_109 = arith.constant 200 : i32
    %add3A_110 = arith.addi %mul3A_4, %add3A_109 : i32
    "tpu.region"() ({
      %run_scoped3A_143 = tpu.sem_alloc : memref<!tpu.dma_semaphore, #tpu.memory_space<semaphore_mem>>
      %dma_start3A_144 = arith.constant 0 : i32
      %dma_start3A_145 = tpu.memref_slice %arg5[%arg0, %add3A_110, %dma_start3A_144] : memref<2x10000x128xf32, #tpu.memory_space<hbm>> -> memref<1x25x128xf32, #tpu.memory_space<hbm>>
      %dma_start3A_146 = tpu.memref_squeeze %dma_start3A_145 : memref<1x25x128xf32, #tpu.memory_space<hbm>> -> memref<25x128xf32, #tpu.memory_space<hbm>>
      %dma_start3A_147 = arith.constant 0 : i32
      %dma_start3A_148 = tpu.memref_slice %arg10[%add3A_110, %dma_start3A_147] : memref<10000x128xf32, #tpu.memory_space<vmem_shared>> -> memref<25x128xf32, #tpu.memory_space<vmem_shared>>
      tpu.enqueue_dma source(%dma_start3A_148 : memref<25x128xf32, #tpu.memory_space<vmem_shared>>) target(%dma_start3A_146 : memref<25x128xf32, #tpu.memory_space<hbm>>) target_semaphore(%run_scoped3A_143 : memref<!tpu.dma_semaphore, #tpu.memory_space<semaphore_mem>>)
      %dma_wait3A_149 = arith.constant 0 : i32
      %dma_wait3A_150 = tpu.memref_slice %arg5[%arg0, %add3A_110, %dma_wait3A_149] : memref<2x10000x128xf32, #tpu.memory_space<hbm>> -> memref<1x25x128xf32, #tpu.memory_space<hbm>>
      %dma_wait3A_151 = tpu.memref_squeeze %dma_wait3A_150 : memref<1x25x128xf32, #tpu.memory_space<hbm>> -> memref<25x128xf32, #tpu.memory_space<hbm>>
      %dma_wait3A_152 = arith.constant 0 : i32
      %dma_wait3A_153 = tpu.memref_slice %arg10[%add3A_110, %dma_wait3A_152] : memref<10000x128xf32, #tpu.memory_space<vmem_shared>> -> memref<25x128xf32, #tpu.memory_space<vmem_shared>>
      tpu.wait_dma2 semaphore(%run_scoped3A_143 : memref<!tpu.dma_semaphore, #tpu.memory_space<semaphore_mem>>) src(%dma_wait3A_153 : memref<25x128xf32, #tpu.memory_space<vmem_shared>>) dst(%dma_wait3A_151 : memref<25x128xf32, #tpu.memory_space<hbm>>)
      tpu.yield
    }) : () -> ()
    %add3A_111 = arith.constant 225 : i32
    %add3A_112 = arith.addi %mul3A_4, %add3A_111 : i32
    "tpu.region"() ({
      %run_scoped3A_143 = tpu.sem_alloc : memref<!tpu.dma_semaphore, #tpu.memory_space<semaphore_mem>>
      %dma_start3A_144 = arith.constant 0 : i32
      %dma_start3A_145 = tpu.memref_slice %arg5[%arg0, %add3A_112, %dma_start3A_144] : memref<2x10000x128xf32, #tpu.memory_space<hbm>> -> memref<1x25x128xf32, #tpu.memory_space<hbm>>
      %dma_start3A_146 = tpu.memref_squeeze %dma_start3A_145 : memref<1x25x128xf32, #tpu.memory_space<hbm>> -> memref<25x128xf32, #tpu.memory_space<hbm>>
      %dma_start3A_147 = arith.constant 0 : i32
      %dma_start3A_148 = tpu.memref_slice %arg10[%add3A_112, %dma_start3A_147] : memref<10000x128xf32, #tpu.memory_space<vmem_shared>> -> memref<25x128xf32, #tpu.memory_space<vmem_shared>>
      tpu.enqueue_dma source(%dma_start3A_148 : memref<25x128xf32, #tpu.memory_space<vmem_shared>>) target(%dma_start3A_146 : memref<25x128xf32, #tpu.memory_space<hbm>>) target_semaphore(%run_scoped3A_143 : memref<!tpu.dma_semaphore, #tpu.memory_space<semaphore_mem>>)
      %dma_wait3A_149 = arith.constant 0 : i32
      %dma_wait3A_150 = tpu.memref_slice %arg5[%arg0, %add3A_112, %dma_wait3A_149] : memref<2x10000x128xf32, #tpu.memory_space<hbm>> -> memref<1x25x128xf32, #tpu.memory_space<hbm>>
      %dma_wait3A_151 = tpu.memref_squeeze %dma_wait3A_150 : memref<1x25x128xf32, #tpu.memory_space<hbm>> -> memref<25x128xf32, #tpu.memory_space<hbm>>
      %dma_wait3A_152 = arith.constant 0 : i32
      %dma_wait3A_153 = tpu.memref_slice %arg10[%add3A_112, %dma_wait3A_152] : memref<10000x128xf32, #tpu.memory_space<vmem_shared>> -> memref<25x128xf32, #tpu.memory_space<vmem_shared>>
      tpu.wait_dma2 semaphore(%run_scoped3A_143 : memref<!tpu.dma_semaphore, #tpu.memory_space<semaphore_mem>>) src(%dma_wait3A_153 : memref<25x128xf32, #tpu.memory_space<vmem_shared>>) dst(%dma_wait3A_151 : memref<25x128xf32, #tpu.memory_space<hbm>>)
      tpu.yield
    }) : () -> ()
    %add3A_113 = arith.constant 250 : i32
    %add3A_114 = arith.addi %mul3A_4, %add3A_113 : i32
    "tpu.region"() ({
      %run_scoped3A_143 = tpu.sem_alloc : memref<!tpu.dma_semaphore, #tpu.memory_space<semaphore_mem>>
      %dma_start3A_144 = arith.constant 0 : i32
      %dma_start3A_145 = tpu.memref_slice %arg5[%arg0, %add3A_114, %dma_start3A_144] : memref<2x10000x128xf32, #tpu.memory_space<hbm>> -> memref<1x25x128xf32, #tpu.memory_space<hbm>>
      %dma_start3A_146 = tpu.memref_squeeze %dma_start3A_145 : memref<1x25x128xf32, #tpu.memory_space<hbm>> -> memref<25x128xf32, #tpu.memory_space<hbm>>
      %dma_start3A_147 = arith.constant 0 : i32
      %dma_start3A_148 = tpu.memref_slice %arg10[%add3A_114, %dma_start3A_147] : memref<10000x128xf32, #tpu.memory_space<vmem_shared>> -> memref<25x128xf32, #tpu.memory_space<vmem_shared>>
      tpu.enqueue_dma source(%dma_start3A_148 : memref<25x128xf32, #tpu.memory_space<vmem_shared>>) target(%dma_start3A_146 : memref<25x128xf32, #tpu.memory_space<hbm>>) target_semaphore(%run_scoped3A_143 : memref<!tpu.dma_semaphore, #tpu.memory_space<semaphore_mem>>)
      %dma_wait3A_149 = arith.constant 0 : i32
      %dma_wait3A_150 = tpu.memref_slice %arg5[%arg0, %add3A_114, %dma_wait3A_149] : memref<2x10000x128xf32, #tpu.memory_space<hbm>> -> memref<1x25x128xf32, #tpu.memory_space<hbm>>
      %dma_wait3A_151 = tpu.memref_squeeze %dma_wait3A_150 : memref<1x25x128xf32, #tpu.memory_space<hbm>> -> memref<25x128xf32, #tpu.memory_space<hbm>>
      %dma_wait3A_152 = arith.constant 0 : i32
      %dma_wait3A_153 = tpu.memref_slice %arg10[%add3A_114, %dma_wait3A_152] : memref<10000x128xf32, #tpu.memory_space<vmem_shared>> -> memref<25x128xf32, #tpu.memory_space<vmem_shared>>
      tpu.wait_dma2 semaphore(%run_scoped3A_143 : memref<!tpu.dma_semaphore, #tpu.memory_space<semaphore_mem>>) src(%dma_wait3A_153 : memref<25x128xf32, #tpu.memory_space<vmem_shared>>) dst(%dma_wait3A_151 : memref<25x128xf32, #tpu.memory_space<hbm>>)
      tpu.yield
    }) : () -> ()
    %add3A_115 = arith.constant 275 : i32
    %add3A_116 = arith.addi %mul3A_4, %add3A_115 : i32
    "tpu.region"() ({
      %run_scoped3A_143 = tpu.sem_alloc : memref<!tpu.dma_semaphore, #tpu.memory_space<semaphore_mem>>
      %dma_start3A_144 = arith.constant 0 : i32
      %dma_start3A_145 = tpu.memref_slice %arg5[%arg0, %add3A_116, %dma_start3A_144] : memref<2x10000x128xf32, #tpu.memory_space<hbm>> -> memref<1x25x128xf32, #tpu.memory_space<hbm>>
      %dma_start3A_146 = tpu.memref_squeeze %dma_start3A_145 : memref<1x25x128xf32, #tpu.memory_space<hbm>> -> memref<25x128xf32, #tpu.memory_space<hbm>>
      %dma_start3A_147 = arith.constant 0 : i32
      %dma_start3A_148 = tpu.memref_slice %arg10[%add3A_116, %dma_start3A_147] : memref<10000x128xf32, #tpu.memory_space<vmem_shared>> -> memref<25x128xf32, #tpu.memory_space<vmem_shared>>
      tpu.enqueue_dma source(%dma_start3A_148 : memref<25x128xf32, #tpu.memory_space<vmem_shared>>) target(%dma_start3A_146 : memref<25x128xf32, #tpu.memory_space<hbm>>) target_semaphore(%run_scoped3A_143 : memref<!tpu.dma_semaphore, #tpu.memory_space<semaphore_mem>>)
      %dma_wait3A_149 = arith.constant 0 : i32
      %dma_wait3A_150 = tpu.memref_slice %arg5[%arg0, %add3A_116, %dma_wait3A_149] : memref<2x10000x128xf32, #tpu.memory_space<hbm>> -> memref<1x25x128xf32, #tpu.memory_space<hbm>>
      %dma_wait3A_151 = tpu.memref_squeeze %dma_wait3A_150 : memref<1x25x128xf32, #tpu.memory_space<hbm>> -> memref<25x128xf32, #tpu.memory_space<hbm>>
      %dma_wait3A_152 = arith.constant 0 : i32
      %dma_wait3A_153 = tpu.memref_slice %arg10[%add3A_116, %dma_wait3A_152] : memref<10000x128xf32, #tpu.memory_space<vmem_shared>> -> memref<25x128xf32, #tpu.memory_space<vmem_shared>>
      tpu.wait_dma2 semaphore(%run_scoped3A_143 : memref<!tpu.dma_semaphore, #tpu.memory_space<semaphore_mem>>) src(%dma_wait3A_153 : memref<25x128xf32, #tpu.memory_space<vmem_shared>>) dst(%dma_wait3A_151 : memref<25x128xf32, #tpu.memory_space<hbm>>)
      tpu.yield
    }) : () -> ()
    %add3A_117 = arith.constant 300 : i32
    %add3A_118 = arith.addi %mul3A_4, %add3A_117 : i32
    "tpu.region"() ({
      %run_scoped3A_143 = tpu.sem_alloc : memref<!tpu.dma_semaphore, #tpu.memory_space<semaphore_mem>>
      %dma_start3A_144 = arith.constant 0 : i32
      %dma_start3A_145 = tpu.memref_slice %arg5[%arg0, %add3A_118, %dma_start3A_144] : memref<2x10000x128xf32, #tpu.memory_space<hbm>> -> memref<1x25x128xf32, #tpu.memory_space<hbm>>
      %dma_start3A_146 = tpu.memref_squeeze %dma_start3A_145 : memref<1x25x128xf32, #tpu.memory_space<hbm>> -> memref<25x128xf32, #tpu.memory_space<hbm>>
      %dma_start3A_147 = arith.constant 0 : i32
      %dma_start3A_148 = tpu.memref_slice %arg10[%add3A_118, %dma_start3A_147] : memref<10000x128xf32, #tpu.memory_space<vmem_shared>> -> memref<25x128xf32, #tpu.memory_space<vmem_shared>>
      tpu.enqueue_dma source(%dma_start3A_148 : memref<25x128xf32, #tpu.memory_space<vmem_shared>>) target(%dma_start3A_146 : memref<25x128xf32, #tpu.memory_space<hbm>>) target_semaphore(%run_scoped3A_143 : memref<!tpu.dma_semaphore, #tpu.memory_space<semaphore_mem>>)
      %dma_wait3A_149 = arith.constant 0 : i32
      %dma_wait3A_150 = tpu.memref_slice %arg5[%arg0, %add3A_118, %dma_wait3A_149] : memref<2x10000x128xf32, #tpu.memory_space<hbm>> -> memref<1x25x128xf32, #tpu.memory_space<hbm>>
      %dma_wait3A_151 = tpu.memref_squeeze %dma_wait3A_150 : memref<1x25x128xf32, #tpu.memory_space<hbm>> -> memref<25x128xf32, #tpu.memory_space<hbm>>
      %dma_wait3A_152 = arith.constant 0 : i32
      %dma_wait3A_153 = tpu.memref_slice %arg10[%add3A_118, %dma_wait3A_152] : memref<10000x128xf32, #tpu.memory_space<vmem_shared>> -> memref<25x128xf32, #tpu.memory_space<vmem_shared>>
      tpu.wait_dma2 semaphore(%run_scoped3A_143 : memref<!tpu.dma_semaphore, #tpu.memory_space<semaphore_mem>>) src(%dma_wait3A_153 : memref<25x128xf32, #tpu.memory_space<vmem_shared>>) dst(%dma_wait3A_151 : memref<25x128xf32, #tpu.memory_space<hbm>>)
      tpu.yield
    }) : () -> ()
    %add3A_119 = arith.constant 325 : i32
    %add3A_120 = arith.addi %mul3A_4, %add3A_119 : i32
    "tpu.region"() ({
      %run_scoped3A_143 = tpu.sem_alloc : memref<!tpu.dma_semaphore, #tpu.memory_space<semaphore_mem>>
      %dma_start3A_144 = arith.constant 0 : i32
      %dma_start3A_145 = tpu.memref_slice %arg5[%arg0, %add3A_120, %dma_start3A_144] : memref<2x10000x128xf32, #tpu.memory_space<hbm>> -> memref<1x25x128xf32, #tpu.memory_space<hbm>>
      %dma_start3A_146 = tpu.memref_squeeze %dma_start3A_145 : memref<1x25x128xf32, #tpu.memory_space<hbm>> -> memref<25x128xf32, #tpu.memory_space<hbm>>
      %dma_start3A_147 = arith.constant 0 : i32
      %dma_start3A_148 = tpu.memref_slice %arg10[%add3A_120, %dma_start3A_147] : memref<10000x128xf32, #tpu.memory_space<vmem_shared>> -> memref<25x128xf32, #tpu.memory_space<vmem_shared>>
      tpu.enqueue_dma source(%dma_start3A_148 : memref<25x128xf32, #tpu.memory_space<vmem_shared>>) target(%dma_start3A_146 : memref<25x128xf32, #tpu.memory_space<hbm>>) target_semaphore(%run_scoped3A_143 : memref<!tpu.dma_semaphore, #tpu.memory_space<semaphore_mem>>)
      %dma_wait3A_149 = arith.constant 0 : i32
      %dma_wait3A_150 = tpu.memref_slice %arg5[%arg0, %add3A_120, %dma_wait3A_149] : memref<2x10000x128xf32, #tpu.memory_space<hbm>> -> memref<1x25x128xf32, #tpu.memory_space<hbm>>
      %dma_wait3A_151 = tpu.memref_squeeze %dma_wait3A_150 : memref<1x25x128xf32, #tpu.memory_space<hbm>> -> memref<25x128xf32, #tpu.memory_space<hbm>>
      %dma_wait3A_152 = arith.constant 0 : i32
      %dma_wait3A_153 = tpu.memref_slice %arg10[%add3A_120, %dma_wait3A_152] : memref<10000x128xf32, #tpu.memory_space<vmem_shared>> -> memref<25x128xf32, #tpu.memory_space<vmem_shared>>
      tpu.wait_dma2 semaphore(%run_scoped3A_143 : memref<!tpu.dma_semaphore, #tpu.memory_space<semaphore_mem>>) src(%dma_wait3A_153 : memref<25x128xf32, #tpu.memory_space<vmem_shared>>) dst(%dma_wait3A_151 : memref<25x128xf32, #tpu.memory_space<hbm>>)
      tpu.yield
    }) : () -> ()
    %add3A_121 = arith.constant 350 : i32
    %add3A_122 = arith.addi %mul3A_4, %add3A_121 : i32
    "tpu.region"() ({
      %run_scoped3A_143 = tpu.sem_alloc : memref<!tpu.dma_semaphore, #tpu.memory_space<semaphore_mem>>
      %dma_start3A_144 = arith.constant 0 : i32
      %dma_start3A_145 = tpu.memref_slice %arg5[%arg0, %add3A_122, %dma_start3A_144] : memref<2x10000x128xf32, #tpu.memory_space<hbm>> -> memref<1x25x128xf32, #tpu.memory_space<hbm>>
      %dma_start3A_146 = tpu.memref_squeeze %dma_start3A_145 : memref<1x25x128xf32, #tpu.memory_space<hbm>> -> memref<25x128xf32, #tpu.memory_space<hbm>>
      %dma_start3A_147 = arith.constant 0 : i32
      %dma_start3A_148 = tpu.memref_slice %arg10[%add3A_122, %dma_start3A_147] : memref<10000x128xf32, #tpu.memory_space<vmem_shared>> -> memref<25x128xf32, #tpu.memory_space<vmem_shared>>
      tpu.enqueue_dma source(%dma_start3A_148 : memref<25x128xf32, #tpu.memory_space<vmem_shared>>) target(%dma_start3A_146 : memref<25x128xf32, #tpu.memory_space<hbm>>) target_semaphore(%run_scoped3A_143 : memref<!tpu.dma_semaphore, #tpu.memory_space<semaphore_mem>>)
      %dma_wait3A_149 = arith.constant 0 : i32
      %dma_wait3A_150 = tpu.memref_slice %arg5[%arg0, %add3A_122, %dma_wait3A_149] : memref<2x10000x128xf32, #tpu.memory_space<hbm>> -> memref<1x25x128xf32, #tpu.memory_space<hbm>>
      %dma_wait3A_151 = tpu.memref_squeeze %dma_wait3A_150 : memref<1x25x128xf32, #tpu.memory_space<hbm>> -> memref<25x128xf32, #tpu.memory_space<hbm>>
      %dma_wait3A_152 = arith.constant 0 : i32
      %dma_wait3A_153 = tpu.memref_slice %arg10[%add3A_122, %dma_wait3A_152] : memref<10000x128xf32, #tpu.memory_space<vmem_shared>> -> memref<25x128xf32, #tpu.memory_space<vmem_shared>>
      tpu.wait_dma2 semaphore(%run_scoped3A_143 : memref<!tpu.dma_semaphore, #tpu.memory_space<semaphore_mem>>) src(%dma_wait3A_153 : memref<25x128xf32, #tpu.memory_space<vmem_shared>>) dst(%dma_wait3A_151 : memref<25x128xf32, #tpu.memory_space<hbm>>)
      tpu.yield
    }) : () -> ()
    %add3A_123 = arith.constant 375 : i32
    %add3A_124 = arith.addi %mul3A_4, %add3A_123 : i32
    "tpu.region"() ({
      %run_scoped3A_143 = tpu.sem_alloc : memref<!tpu.dma_semaphore, #tpu.memory_space<semaphore_mem>>
      %dma_start3A_144 = arith.constant 0 : i32
      %dma_start3A_145 = tpu.memref_slice %arg5[%arg0, %add3A_124, %dma_start3A_144] : memref<2x10000x128xf32, #tpu.memory_space<hbm>> -> memref<1x25x128xf32, #tpu.memory_space<hbm>>
      %dma_start3A_146 = tpu.memref_squeeze %dma_start3A_145 : memref<1x25x128xf32, #tpu.memory_space<hbm>> -> memref<25x128xf32, #tpu.memory_space<hbm>>
      %dma_start3A_147 = arith.constant 0 : i32
      %dma_start3A_148 = tpu.memref_slice %arg10[%add3A_124, %dma_start3A_147] : memref<10000x128xf32, #tpu.memory_space<vmem_shared>> -> memref<25x128xf32, #tpu.memory_space<vmem_shared>>
      tpu.enqueue_dma source(%dma_start3A_148 : memref<25x128xf32, #tpu.memory_space<vmem_shared>>) target(%dma_start3A_146 : memref<25x128xf32, #tpu.memory_space<hbm>>) target_semaphore(%run_scoped3A_143 : memref<!tpu.dma_semaphore, #tpu.memory_space<semaphore_mem>>)
      %dma_wait3A_149 = arith.constant 0 : i32
      %dma_wait3A_150 = tpu.memref_slice %arg5[%arg0, %add3A_124, %dma_wait3A_149] : memref<2x10000x128xf32, #tpu.memory_space<hbm>> -> memref<1x25x128xf32, #tpu.memory_space<hbm>>
      %dma_wait3A_151 = tpu.memref_squeeze %dma_wait3A_150 : memref<1x25x128xf32, #tpu.memory_space<hbm>> -> memref<25x128xf32, #tpu.memory_space<hbm>>
      %dma_wait3A_152 = arith.constant 0 : i32
      %dma_wait3A_153 = tpu.memref_slice %arg10[%add3A_124, %dma_wait3A_152] : memref<10000x128xf32, #tpu.memory_space<vmem_shared>> -> memref<25x128xf32, #tpu.memory_space<vmem_shared>>
      tpu.wait_dma2 semaphore(%run_scoped3A_143 : memref<!tpu.dma_semaphore, #tpu.memory_space<semaphore_mem>>) src(%dma_wait3A_153 : memref<25x128xf32, #tpu.memory_space<vmem_shared>>) dst(%dma_wait3A_151 : memref<25x128xf32, #tpu.memory_space<hbm>>)
      tpu.yield
    }) : () -> ()
    %add3A_125 = arith.constant 400 : i32
    %add3A_126 = arith.addi %mul3A_4, %add3A_125 : i32
    "tpu.region"() ({
      %run_scoped3A_143 = tpu.sem_alloc : memref<!tpu.dma_semaphore, #tpu.memory_space<semaphore_mem>>
      %dma_start3A_144 = arith.constant 0 : i32
      %dma_start3A_145 = tpu.memref_slice %arg5[%arg0, %add3A_126, %dma_start3A_144] : memref<2x10000x128xf32, #tpu.memory_space<hbm>> -> memref<1x25x128xf32, #tpu.memory_space<hbm>>
      %dma_start3A_146 = tpu.memref_squeeze %dma_start3A_145 : memref<1x25x128xf32, #tpu.memory_space<hbm>> -> memref<25x128xf32, #tpu.memory_space<hbm>>
      %dma_start3A_147 = arith.constant 0 : i32
      %dma_start3A_148 = tpu.memref_slice %arg10[%add3A_126, %dma_start3A_147] : memref<10000x128xf32, #tpu.memory_space<vmem_shared>> -> memref<25x128xf32, #tpu.memory_space<vmem_shared>>
      tpu.enqueue_dma source(%dma_start3A_148 : memref<25x128xf32, #tpu.memory_space<vmem_shared>>) target(%dma_start3A_146 : memref<25x128xf32, #tpu.memory_space<hbm>>) target_semaphore(%run_scoped3A_143 : memref<!tpu.dma_semaphore, #tpu.memory_space<semaphore_mem>>)
      %dma_wait3A_149 = arith.constant 0 : i32
      %dma_wait3A_150 = tpu.memref_slice %arg5[%arg0, %add3A_126, %dma_wait3A_149] : memref<2x10000x128xf32, #tpu.memory_space<hbm>> -> memref<1x25x128xf32, #tpu.memory_space<hbm>>
      %dma_wait3A_151 = tpu.memref_squeeze %dma_wait3A_150 : memref<1x25x128xf32, #tpu.memory_space<hbm>> -> memref<25x128xf32, #tpu.memory_space<hbm>>
      %dma_wait3A_152 = arith.constant 0 : i32
      %dma_wait3A_153 = tpu.memref_slice %arg10[%add3A_126, %dma_wait3A_152] : memref<10000x128xf32, #tpu.memory_space<vmem_shared>> -> memref<25x128xf32, #tpu.memory_space<vmem_shared>>
      tpu.wait_dma2 semaphore(%run_scoped3A_143 : memref<!tpu.dma_semaphore, #tpu.memory_space<semaphore_mem>>) src(%dma_wait3A_153 : memref<25x128xf32, #tpu.memory_space<vmem_shared>>) dst(%dma_wait3A_151 : memref<25x128xf32, #tpu.memory_space<hbm>>)
      tpu.yield
    }) : () -> ()
    %add3A_127 = arith.constant 425 : i32
    %add3A_128 = arith.addi %mul3A_4, %add3A_127 : i32
    "tpu.region"() ({
      %run_scoped3A_143 = tpu.sem_alloc : memref<!tpu.dma_semaphore, #tpu.memory_space<semaphore_mem>>
      %dma_start3A_144 = arith.constant 0 : i32
      %dma_start3A_145 = tpu.memref_slice %arg5[%arg0, %add3A_128, %dma_start3A_144] : memref<2x10000x128xf32, #tpu.memory_space<hbm>> -> memref<1x25x128xf32, #tpu.memory_space<hbm>>
      %dma_start3A_146 = tpu.memref_squeeze %dma_start3A_145 : memref<1x25x128xf32, #tpu.memory_space<hbm>> -> memref<25x128xf32, #tpu.memory_space<hbm>>
      %dma_start3A_147 = arith.constant 0 : i32
      %dma_start3A_148 = tpu.memref_slice %arg10[%add3A_128, %dma_start3A_147] : memref<10000x128xf32, #tpu.memory_space<vmem_shared>> -> memref<25x128xf32, #tpu.memory_space<vmem_shared>>
      tpu.enqueue_dma source(%dma_start3A_148 : memref<25x128xf32, #tpu.memory_space<vmem_shared>>) target(%dma_start3A_146 : memref<25x128xf32, #tpu.memory_space<hbm>>) target_semaphore(%run_scoped3A_143 : memref<!tpu.dma_semaphore, #tpu.memory_space<semaphore_mem>>)
      %dma_wait3A_149 = arith.constant 0 : i32
      %dma_wait3A_150 = tpu.memref_slice %arg5[%arg0, %add3A_128, %dma_wait3A_149] : memref<2x10000x128xf32, #tpu.memory_space<hbm>> -> memref<1x25x128xf32, #tpu.memory_space<hbm>>
      %dma_wait3A_151 = tpu.memref_squeeze %dma_wait3A_150 : memref<1x25x128xf32, #tpu.memory_space<hbm>> -> memref<25x128xf32, #tpu.memory_space<hbm>>
      %dma_wait3A_152 = arith.constant 0 : i32
      %dma_wait3A_153 = tpu.memref_slice %arg10[%add3A_128, %dma_wait3A_152] : memref<10000x128xf32, #tpu.memory_space<vmem_shared>> -> memref<25x128xf32, #tpu.memory_space<vmem_shared>>
      tpu.wait_dma2 semaphore(%run_scoped3A_143 : memref<!tpu.dma_semaphore, #tpu.memory_space<semaphore_mem>>) src(%dma_wait3A_153 : memref<25x128xf32, #tpu.memory_space<vmem_shared>>) dst(%dma_wait3A_151 : memref<25x128xf32, #tpu.memory_space<hbm>>)
      tpu.yield
    }) : () -> ()
    %add3A_129 = arith.constant 450 : i32
    %add3A_130 = arith.addi %mul3A_4, %add3A_129 : i32
    "tpu.region"() ({
      %run_scoped3A_143 = tpu.sem_alloc : memref<!tpu.dma_semaphore, #tpu.memory_space<semaphore_mem>>
      %dma_start3A_144 = arith.constant 0 : i32
      %dma_start3A_145 = tpu.memref_slice %arg5[%arg0, %add3A_130, %dma_start3A_144] : memref<2x10000x128xf32, #tpu.memory_space<hbm>> -> memref<1x25x128xf32, #tpu.memory_space<hbm>>
      %dma_start3A_146 = tpu.memref_squeeze %dma_start3A_145 : memref<1x25x128xf32, #tpu.memory_space<hbm>> -> memref<25x128xf32, #tpu.memory_space<hbm>>
      %dma_start3A_147 = arith.constant 0 : i32
      %dma_start3A_148 = tpu.memref_slice %arg10[%add3A_130, %dma_start3A_147] : memref<10000x128xf32, #tpu.memory_space<vmem_shared>> -> memref<25x128xf32, #tpu.memory_space<vmem_shared>>
      tpu.enqueue_dma source(%dma_start3A_148 : memref<25x128xf32, #tpu.memory_space<vmem_shared>>) target(%dma_start3A_146 : memref<25x128xf32, #tpu.memory_space<hbm>>) target_semaphore(%run_scoped3A_143 : memref<!tpu.dma_semaphore, #tpu.memory_space<semaphore_mem>>)
      %dma_wait3A_149 = arith.constant 0 : i32
      %dma_wait3A_150 = tpu.memref_slice %arg5[%arg0, %add3A_130, %dma_wait3A_149] : memref<2x10000x128xf32, #tpu.memory_space<hbm>> -> memref<1x25x128xf32, #tpu.memory_space<hbm>>
      %dma_wait3A_151 = tpu.memref_squeeze %dma_wait3A_150 : memref<1x25x128xf32, #tpu.memory_space<hbm>> -> memref<25x128xf32, #tpu.memory_space<hbm>>
      %dma_wait3A_152 = arith.constant 0 : i32
      %dma_wait3A_153 = tpu.memref_slice %arg10[%add3A_130, %dma_wait3A_152] : memref<10000x128xf32, #tpu.memory_space<vmem_shared>> -> memref<25x128xf32, #tpu.memory_space<vmem_shared>>
      tpu.wait_dma2 semaphore(%run_scoped3A_143 : memref<!tpu.dma_semaphore, #tpu.memory_space<semaphore_mem>>) src(%dma_wait3A_153 : memref<25x128xf32, #tpu.memory_space<vmem_shared>>) dst(%dma_wait3A_151 : memref<25x128xf32, #tpu.memory_space<hbm>>)
      tpu.yield
    }) : () -> ()
    %add3A_131 = arith.constant 475 : i32
    %add3A_132 = arith.addi %mul3A_4, %add3A_131 : i32
    "tpu.region"() ({
      %run_scoped3A_143 = tpu.sem_alloc : memref<!tpu.dma_semaphore, #tpu.memory_space<semaphore_mem>>
      %dma_start3A_144 = arith.constant 0 : i32
      %dma_start3A_145 = tpu.memref_slice %arg5[%arg0, %add3A_132, %dma_start3A_144] : memref<2x10000x128xf32, #tpu.memory_space<hbm>> -> memref<1x25x128xf32, #tpu.memory_space<hbm>>
      %dma_start3A_146 = tpu.memref_squeeze %dma_start3A_145 : memref<1x25x128xf32, #tpu.memory_space<hbm>> -> memref<25x128xf32, #tpu.memory_space<hbm>>
      %dma_start3A_147 = arith.constant 0 : i32
      %dma_start3A_148 = tpu.memref_slice %arg10[%add3A_132, %dma_start3A_147] : memref<10000x128xf32, #tpu.memory_space<vmem_shared>> -> memref<25x128xf32, #tpu.memory_space<vmem_shared>>
      tpu.enqueue_dma source(%dma_start3A_148 : memref<25x128xf32, #tpu.memory_space<vmem_shared>>) target(%dma_start3A_146 : memref<25x128xf32, #tpu.memory_space<hbm>>) target_semaphore(%run_scoped3A_143 : memref<!tpu.dma_semaphore, #tpu.memory_space<semaphore_mem>>)
      %dma_wait3A_149 = arith.constant 0 : i32
      %dma_wait3A_150 = tpu.memref_slice %arg5[%arg0, %add3A_132, %dma_wait3A_149] : memref<2x10000x128xf32, #tpu.memory_space<hbm>> -> memref<1x25x128xf32, #tpu.memory_space<hbm>>
      %dma_wait3A_151 = tpu.memref_squeeze %dma_wait3A_150 : memref<1x25x128xf32, #tpu.memory_space<hbm>> -> memref<25x128xf32, #tpu.memory_space<hbm>>
      %dma_wait3A_152 = arith.constant 0 : i32
      %dma_wait3A_153 = tpu.memref_slice %arg10[%add3A_132, %dma_wait3A_152] : memref<10000x128xf32, #tpu.memory_space<vmem_shared>> -> memref<25x128xf32, #tpu.memory_space<vmem_shared>>
      tpu.wait_dma2 semaphore(%run_scoped3A_143 : memref<!tpu.dma_semaphore, #tpu.memory_space<semaphore_mem>>) src(%dma_wait3A_153 : memref<25x128xf32, #tpu.memory_space<vmem_shared>>) dst(%dma_wait3A_151 : memref<25x128xf32, #tpu.memory_space<hbm>>)
      tpu.yield
    }) : () -> ()
    %add3A_133 = arith.constant 500 : i32
    %add3A_134 = arith.addi %mul3A_4, %add3A_133 : i32
    "tpu.region"() ({
      %run_scoped3A_143 = tpu.sem_alloc : memref<!tpu.dma_semaphore, #tpu.memory_space<semaphore_mem>>
      %dma_start3A_144 = arith.constant 0 : i32
      %dma_start3A_145 = tpu.memref_slice %arg5[%arg0, %add3A_134, %dma_start3A_144] : memref<2x10000x128xf32, #tpu.memory_space<hbm>> -> memref<1x25x128xf32, #tpu.memory_space<hbm>>
      %dma_start3A_146 = tpu.memref_squeeze %dma_start3A_145 : memref<1x25x128xf32, #tpu.memory_space<hbm>> -> memref<25x128xf32, #tpu.memory_space<hbm>>
      %dma_start3A_147 = arith.constant 0 : i32
      %dma_start3A_148 = tpu.memref_slice %arg10[%add3A_134, %dma_start3A_147] : memref<10000x128xf32, #tpu.memory_space<vmem_shared>> -> memref<25x128xf32, #tpu.memory_space<vmem_shared>>
      tpu.enqueue_dma source(%dma_start3A_148 : memref<25x128xf32, #tpu.memory_space<vmem_shared>>) target(%dma_start3A_146 : memref<25x128xf32, #tpu.memory_space<hbm>>) target_semaphore(%run_scoped3A_143 : memref<!tpu.dma_semaphore, #tpu.memory_space<semaphore_mem>>)
      %dma_wait3A_149 = arith.constant 0 : i32
      %dma_wait3A_150 = tpu.memref_slice %arg5[%arg0, %add3A_134, %dma_wait3A_149] : memref<2x10000x128xf32, #tpu.memory_space<hbm>> -> memref<1x25x128xf32, #tpu.memory_space<hbm>>
      %dma_wait3A_151 = tpu.memref_squeeze %dma_wait3A_150 : memref<1x25x128xf32, #tpu.memory_space<hbm>> -> memref<25x128xf32, #tpu.memory_space<hbm>>
      %dma_wait3A_152 = arith.constant 0 : i32
      %dma_wait3A_153 = tpu.memref_slice %arg10[%add3A_134, %dma_wait3A_152] : memref<10000x128xf32, #tpu.memory_space<vmem_shared>> -> memref<25x128xf32, #tpu.memory_space<vmem_shared>>
      tpu.wait_dma2 semaphore(%run_scoped3A_143 : memref<!tpu.dma_semaphore, #tpu.memory_space<semaphore_mem>>) src(%dma_wait3A_153 : memref<25x128xf32, #tpu.memory_space<vmem_shared>>) dst(%dma_wait3A_151 : memref<25x128xf32, #tpu.memory_space<hbm>>)
      tpu.yield
    }) : () -> ()
    %add3A_135 = arith.constant 525 : i32
    %add3A_136 = arith.addi %mul3A_4, %add3A_135 : i32
    "tpu.region"() ({
      %run_scoped3A_143 = tpu.sem_alloc : memref<!tpu.dma_semaphore, #tpu.memory_space<semaphore_mem>>
      %dma_start3A_144 = arith.constant 0 : i32
      %dma_start3A_145 = tpu.memref_slice %arg5[%arg0, %add3A_136, %dma_start3A_144] : memref<2x10000x128xf32, #tpu.memory_space<hbm>> -> memref<1x25x128xf32, #tpu.memory_space<hbm>>
      %dma_start3A_146 = tpu.memref_squeeze %dma_start3A_145 : memref<1x25x128xf32, #tpu.memory_space<hbm>> -> memref<25x128xf32, #tpu.memory_space<hbm>>
      %dma_start3A_147 = arith.constant 0 : i32
      %dma_start3A_148 = tpu.memref_slice %arg10[%add3A_136, %dma_start3A_147] : memref<10000x128xf32, #tpu.memory_space<vmem_shared>> -> memref<25x128xf32, #tpu.memory_space<vmem_shared>>
      tpu.enqueue_dma source(%dma_start3A_148 : memref<25x128xf32, #tpu.memory_space<vmem_shared>>) target(%dma_start3A_146 : memref<25x128xf32, #tpu.memory_space<hbm>>) target_semaphore(%run_scoped3A_143 : memref<!tpu.dma_semaphore, #tpu.memory_space<semaphore_mem>>)
      %dma_wait3A_149 = arith.constant 0 : i32
      %dma_wait3A_150 = tpu.memref_slice %arg5[%arg0, %add3A_136, %dma_wait3A_149] : memref<2x10000x128xf32, #tpu.memory_space<hbm>> -> memref<1x25x128xf32, #tpu.memory_space<hbm>>
      %dma_wait3A_151 = tpu.memref_squeeze %dma_wait3A_150 : memref<1x25x128xf32, #tpu.memory_space<hbm>> -> memref<25x128xf32, #tpu.memory_space<hbm>>
      %dma_wait3A_152 = arith.constant 0 : i32
      %dma_wait3A_153 = tpu.memref_slice %arg10[%add3A_136, %dma_wait3A_152] : memref<10000x128xf32, #tpu.memory_space<vmem_shared>> -> memref<25x128xf32, #tpu.memory_space<vmem_shared>>
      tpu.wait_dma2 semaphore(%run_scoped3A_143 : memref<!tpu.dma_semaphore, #tpu.memory_space<semaphore_mem>>) src(%dma_wait3A_153 : memref<25x128xf32, #tpu.memory_space<vmem_shared>>) dst(%dma_wait3A_151 : memref<25x128xf32, #tpu.memory_space<hbm>>)
      tpu.yield
    }) : () -> ()
    %add3A_137 = arith.constant 550 : i32
    %add3A_138 = arith.addi %mul3A_4, %add3A_137 : i32
    "tpu.region"() ({
      %run_scoped3A_143 = tpu.sem_alloc : memref<!tpu.dma_semaphore, #tpu.memory_space<semaphore_mem>>
      %dma_start3A_144 = arith.constant 0 : i32
      %dma_start3A_145 = tpu.memref_slice %arg5[%arg0, %add3A_138, %dma_start3A_144] : memref<2x10000x128xf32, #tpu.memory_space<hbm>> -> memref<1x25x128xf32, #tpu.memory_space<hbm>>
      %dma_start3A_146 = tpu.memref_squeeze %dma_start3A_145 : memref<1x25x128xf32, #tpu.memory_space<hbm>> -> memref<25x128xf32, #tpu.memory_space<hbm>>
      %dma_start3A_147 = arith.constant 0 : i32
      %dma_start3A_148 = tpu.memref_slice %arg10[%add3A_138, %dma_start3A_147] : memref<10000x128xf32, #tpu.memory_space<vmem_shared>> -> memref<25x128xf32, #tpu.memory_space<vmem_shared>>
      tpu.enqueue_dma source(%dma_start3A_148 : memref<25x128xf32, #tpu.memory_space<vmem_shared>>) target(%dma_start3A_146 : memref<25x128xf32, #tpu.memory_space<hbm>>) target_semaphore(%run_scoped3A_143 : memref<!tpu.dma_semaphore, #tpu.memory_space<semaphore_mem>>)
      %dma_wait3A_149 = arith.constant 0 : i32
      %dma_wait3A_150 = tpu.memref_slice %arg5[%arg0, %add3A_138, %dma_wait3A_149] : memref<2x10000x128xf32, #tpu.memory_space<hbm>> -> memref<1x25x128xf32, #tpu.memory_space<hbm>>
      %dma_wait3A_151 = tpu.memref_squeeze %dma_wait3A_150 : memref<1x25x128xf32, #tpu.memory_space<hbm>> -> memref<25x128xf32, #tpu.memory_space<hbm>>
      %dma_wait3A_152 = arith.constant 0 : i32
      %dma_wait3A_153 = tpu.memref_slice %arg10[%add3A_138, %dma_wait3A_152] : memref<10000x128xf32, #tpu.memory_space<vmem_shared>> -> memref<25x128xf32, #tpu.memory_space<vmem_shared>>
      tpu.wait_dma2 semaphore(%run_scoped3A_143 : memref<!tpu.dma_semaphore, #tpu.memory_space<semaphore_mem>>) src(%dma_wait3A_153 : memref<25x128xf32, #tpu.memory_space<vmem_shared>>) dst(%dma_wait3A_151 : memref<25x128xf32, #tpu.memory_space<hbm>>)
      tpu.yield
    }) : () -> ()
    %add3A_139 = arith.constant 575 : i32
    %add3A_140 = arith.addi %mul3A_4, %add3A_139 : i32
    "tpu.region"() ({
      %run_scoped3A_143 = tpu.sem_alloc : memref<!tpu.dma_semaphore, #tpu.memory_space<semaphore_mem>>
      %dma_start3A_144 = arith.constant 0 : i32
      %dma_start3A_145 = tpu.memref_slice %arg5[%arg0, %add3A_140, %dma_start3A_144] : memref<2x10000x128xf32, #tpu.memory_space<hbm>> -> memref<1x25x128xf32, #tpu.memory_space<hbm>>
      %dma_start3A_146 = tpu.memref_squeeze %dma_start3A_145 : memref<1x25x128xf32, #tpu.memory_space<hbm>> -> memref<25x128xf32, #tpu.memory_space<hbm>>
      %dma_start3A_147 = arith.constant 0 : i32
      %dma_start3A_148 = tpu.memref_slice %arg10[%add3A_140, %dma_start3A_147] : memref<10000x128xf32, #tpu.memory_space<vmem_shared>> -> memref<25x128xf32, #tpu.memory_space<vmem_shared>>
      tpu.enqueue_dma source(%dma_start3A_148 : memref<25x128xf32, #tpu.memory_space<vmem_shared>>) target(%dma_start3A_146 : memref<25x128xf32, #tpu.memory_space<hbm>>) target_semaphore(%run_scoped3A_143 : memref<!tpu.dma_semaphore, #tpu.memory_space<semaphore_mem>>)
      %dma_wait3A_149 = arith.constant 0 : i32
      %dma_wait3A_150 = tpu.memref_slice %arg5[%arg0, %add3A_140, %dma_wait3A_149] : memref<2x10000x128xf32, #tpu.memory_space<hbm>> -> memref<1x25x128xf32, #tpu.memory_space<hbm>>
      %dma_wait3A_151 = tpu.memref_squeeze %dma_wait3A_150 : memref<1x25x128xf32, #tpu.memory_space<hbm>> -> memref<25x128xf32, #tpu.memory_space<hbm>>
      %dma_wait3A_152 = arith.constant 0 : i32
      %dma_wait3A_153 = tpu.memref_slice %arg10[%add3A_140, %dma_wait3A_152] : memref<10000x128xf32, #tpu.memory_space<vmem_shared>> -> memref<25x128xf32, #tpu.memory_space<vmem_shared>>
      tpu.wait_dma2 semaphore(%run_scoped3A_143 : memref<!tpu.dma_semaphore, #tpu.memory_space<semaphore_mem>>) src(%dma_wait3A_153 : memref<25x128xf32, #tpu.memory_space<vmem_shared>>) dst(%dma_wait3A_151 : memref<25x128xf32, #tpu.memory_space<hbm>>)
      tpu.yield
    }) : () -> ()
    %add3A_141 = arith.constant 600 : i32
    %add3A_142 = arith.addi %mul3A_4, %add3A_141 : i32
    "tpu.region"() ({
      %run_scoped3A_143 = tpu.sem_alloc : memref<!tpu.dma_semaphore, #tpu.memory_space<semaphore_mem>>
      %dma_start3A_144 = arith.constant 0 : i32
      %dma_start3A_145 = tpu.memref_slice %arg5[%arg0, %add3A_142, %dma_start3A_144] : memref<2x10000x128xf32, #tpu.memory_space<hbm>> -> memref<1x25x128xf32, #tpu.memory_space<hbm>>
      %dma_start3A_146 = tpu.memref_squeeze %dma_start3A_145 : memref<1x25x128xf32, #tpu.memory_space<hbm>> -> memref<25x128xf32, #tpu.memory_space<hbm>>
      %dma_start3A_147 = arith.constant 0 : i32
      %dma_start3A_148 = tpu.memref_slice %arg10[%add3A_142, %dma_start3A_147] : memref<10000x128xf32, #tpu.memory_space<vmem_shared>> -> memref<25x128xf32, #tpu.memory_space<vmem_shared>>
      tpu.enqueue_dma source(%dma_start3A_148 : memref<25x128xf32, #tpu.memory_space<vmem_shared>>) target(%dma_start3A_146 : memref<25x128xf32, #tpu.memory_space<hbm>>) target_semaphore(%run_scoped3A_143 : memref<!tpu.dma_semaphore, #tpu.memory_space<semaphore_mem>>)
      %dma_wait3A_149 = arith.constant 0 : i32
      %dma_wait3A_150 = tpu.memref_slice %arg5[%arg0, %add3A_142, %dma_wait3A_149] : memref<2x10000x128xf32, #tpu.memory_space<hbm>> -> memref<1x25x128xf32, #tpu.memory_space<hbm>>
      %dma_wait3A_151 = tpu.memref_squeeze %dma_wait3A_150 : memref<1x25x128xf32, #tpu.memory_space<hbm>> -> memref<25x128xf32, #tpu.memory_space<hbm>>
      %dma_wait3A_152 = arith.constant 0 : i32
      %dma_wait3A_153 = tpu.memref_slice %arg10[%add3A_142, %dma_wait3A_152] : memref<10000x128xf32, #tpu.memory_space<vmem_shared>> -> memref<25x128xf32, #tpu.memory_space<vmem_shared>>
      tpu.wait_dma2 semaphore(%run_scoped3A_143 : memref<!tpu.dma_semaphore, #tpu.memory_space<semaphore_mem>>) src(%dma_wait3A_153 : memref<25x128xf32, #tpu.memory_space<vmem_shared>>) dst(%dma_wait3A_151 : memref<25x128xf32, #tpu.memory_space<hbm>>)
      tpu.yield
    }) : () -> ()
    return
  }
}

module attributes {stable_mosaic.version = 14 : i64} {
  func.func @_mul_rows_kernel(%arg0: i32, %arg1: memref<1000x128xf32, #tpu.memory_space<vmem>>, %arg2: memref<1000x1xf32, #tpu.memory_space<vmem>>, %arg3: memref<1000x128xf32, #tpu.memory_space<vmem>>) attributes {dimension_semantics = [#tpu.dimension_semantics<arbitrary>], iteration_bounds = array<i64: 10>, scalar_prefetch = 0 : i64, scratch_operands = 0 : i64, tpu.core_type = #tpu.core_type<tc>, window_params = [{transform_indices = @transform_0, window_bounds = array<i64: 1000, 128>}, {transform_indices = @transform_1, window_bounds = array<i64: 1000, 1>}, {transform_indices = @transform_2, window_bounds = array<i64: 1000, 128>}]} {
    %get3A = arith.constant 0 : index
    %get3A_0 = arith.constant 0 : index
    %get3A_1 = vector.load %arg1[%get3A, %get3A_0] : memref<1000x128xf32, #tpu.memory_space<vmem>>, vector<1000x128xf32>
    %get3A_2 = arith.constant 0 : index
    %get3A_3 = arith.constant 0 : index
    %get3A_4 = vector.load %arg2[%get3A_2, %get3A_3] : memref<1000x1xf32, #tpu.memory_space<vmem>>, vector<1000x1xf32>
    %mul3A = vector.broadcast %get3A_4 : vector<1000x1xf32> to vector<1000x128xf32>
    %mul3A_5 = arith.mulf %get3A_1, %mul3A : vector<1000x128xf32>
    %swap3A = arith.constant 0 : index
    %swap3A_6 = arith.constant 0 : index
    %swap3A_7 = vector.load %arg3[%swap3A, %swap3A_6] : memref<1000x128xf32, #tpu.memory_space<vmem>>, vector<1000x128xf32>
    tpu.vector_store %arg3[%swap3A, %swap3A_6], %mul3A_5 {strides = array<i32>} : memref<1000x128xf32, #tpu.memory_space<vmem>>, vector<1000x128xf32>,
    return
  }
  func.func @transform_0(%arg0: i32) -> (i32, i32) {
    %c0_i32 = arith.constant 0 : i32
    %c0_i32_0 = arith.constant 0 : i32
    return %arg0, %c0_i32 : i32, i32
  }
  func.func @transform_1(%arg0: i32) -> (i32, i32) {
    %c0_i32 = arith.constant 0 : i32
    %c0_i32_0 = arith.constant 0 : i32
    return %arg0, %c0_i32 : i32, i32
  }
  func.func @transform_2(%arg0: i32) -> (i32, i32) {
    %c0_i32 = arith.constant 0 : i32
    %c0_i32_0 = arith.constant 0 : i32
    return %arg0, %c0_i32 : i32, i32
  }
}

module attributes {stable_mosaic.version = 14 : i64} {
  func.func @_combine_kernel(%arg0: i32, %arg1: memref<2x1000x128xf32, #tpu.memory_space<vmem>>, %arg2: memref<1000x1xf32, #tpu.memory_space<vmem>>, %arg3: memref<1000x128xf32, #tpu.memory_space<vmem>>) attributes {dimension_semantics = [#tpu.dimension_semantics<arbitrary>], iteration_bounds = array<i64: 10>, scalar_prefetch = 0 : i64, scratch_operands = 0 : i64, tpu.core_type = #tpu.core_type<tc>, window_params = [{transform_indices = @transform_0, window_bounds = array<i64: 2, 1000, 128>}, {transform_indices = @transform_1, window_bounds = array<i64: 1000, 1>}, {transform_indices = @transform_2, window_bounds = array<i64: 1000, 128>}]} {
    %get3A = arith.constant 0 : index
    %get3A_0 = arith.constant 0 : index
    %get3A_1 = arith.constant 0 : index
    %get3A_2 = vector.load %arg1[%get3A, %get3A_0, %get3A_1] : memref<2x1000x128xf32, #tpu.memory_space<vmem>>, vector<1x1000x128xf32>
    %get3A_3 = vector.shape_cast %get3A_2 : vector<1x1000x128xf32> to vector<1000x128xf32>
    %get3A_4 = arith.constant 1 : index
    %get3A_5 = arith.constant 0 : index
    %get3A_6 = arith.constant 0 : index
    %get3A_7 = vector.load %arg1[%get3A_4, %get3A_5, %get3A_6] : memref<2x1000x128xf32, #tpu.memory_space<vmem>>, vector<1x1000x128xf32>
    %get3A_8 = vector.shape_cast %get3A_7 : vector<1x1000x128xf32> to vector<1000x128xf32>
    %add3A = arith.addf %get3A_3, %get3A_8 : vector<1000x128xf32>
    %get3A_9 = arith.constant 0 : index
    %get3A_10 = arith.constant 0 : index
    %get3A_11 = vector.load %arg2[%get3A_9, %get3A_10] : memref<1000x1xf32, #tpu.memory_space<vmem>>, vector<1000x1xf32>
    %mul3A = vector.broadcast %get3A_11 : vector<1000x1xf32> to vector<1000x128xf32>
    %mul3A_12 = arith.mulf %add3A, %mul3A : vector<1000x128xf32>
    %swap3A = arith.constant 0 : index
    %swap3A_13 = arith.constant 0 : index
    %swap3A_14 = vector.load %arg3[%swap3A, %swap3A_13] : memref<1000x128xf32, #tpu.memory_space<vmem>>, vector<1000x128xf32>
    tpu.vector_store %arg3[%swap3A, %swap3A_13], %mul3A_12 {strides = array<i32>} : memref<1000x128xf32, #tpu.memory_space<vmem>>, vector<1000x128xf32>,
    return
  }
  func.func @transform_0(%arg0: i32) -> (i32, i32, i32) {
    %c0_i32 = arith.constant 0 : i32
    %c0_i32_0 = arith.constant 0 : i32
    %c0_i32_1 = arith.constant 0 : i32
    return %c0_i32, %arg0, %c0_i32_0 : i32, i32, i32
  }
  func.func @transform_1(%arg0: i32) -> (i32, i32) {
    %c0_i32 = arith.constant 0 : i32
    %c0_i32_0 = arith.constant 0 : i32
    return %arg0, %c0_i32 : i32, i32
  }
  func.func @transform_2(%arg0: i32) -> (i32, i32) {
    %c0_i32 = arith.constant 0 : i32
    %c0_i32_0 = arith.constant 0 : i32
    return %arg0, %c0_i32 : i32, i32
  }
}

</mosaic_0001>

<sc_bundles>
// kernel: kernel.5.cloned.1.call-start
scs
__scs_entry_jumppad:
0x0: {  	(pc) =	sbr.rel $0x88, $3  }
0x1: {  	(tag) =	ssettag $0x0;
	lr =	simm.s32 $0x1  }
0x2: {  	[smem:$0x3F9D] =	sst lr;
	_ =	strace $0xD0000000  }
0x3: {  	_ = 	snop  }
0x4: {  	_ = 	snop  }
0x5: {  	_ = 	snop  }
0x6: {  	_ = 	snop  }
0x7: {  	_ = 	snop  }
__scs_overlays_trampoline_lowered:
0x8: {  	[smem:$0x3FAC] =	sst s0  }
0x9: {  	[smem:$0x3FAD] =	sst s1  }
0xa: {  	[smem:$0x3FAE] =	sst s2  }
0xb: {  	[smem:$0x3FAF] =	sst s3  }
0xc: {  	[smem:$0x3FB0] =	sst s4  }
0xd: {  	[smem:$0x3FB1] =	sst s5  }
0xe: {  	[smem:$0x3FB2] =	sst s6  }
0xf: {  	[smem:$0x3FB3] =	sst s7  }
0x10: {  	[smem:$0x3FB4] =	sst s8  }
0x11: {  	[smem:$0x3FB5] =	sst s9;
	s0 =	simm.s32 @!p0 $0x0  }
0x12: {  	s1 =	sld [smem:$0x3F9B];
	s0 =	simm.s32 @p0 $0x1  }
0x13: {  	[smem:$0x3FB6] =	sst s0;
	s0 =	simm.s32 @!p1 $0x0  }
0x14: {  	s2 =	sld [smem:$0x3F9A];
	s0 =	simm.s32 @p1 $0x1  }
0x15: {  	[smem:$0x3FB7] =	sst s0;
	s0 =	simm.s32 @!p2 $0x0  }
0x16: {  	s3 =	sld [smem:$0x3FDB];
	s0 =	simm.s32 @p2 $0x1  }
0x17: {  	s4 =	simm.s32 $0x1BF5;
	[smem:$0x3FB9] =	sst s0  }
0x18: {  	s0 =	sld [smem:$0x3F9C];
	_ =	swait.ge [sflag:s4], $0x0  }
0x19: {  	s7 =	sld [smem:$0x3F9D]  }
0x1a: {  	s8 =	sadd.s32 $0xFFFFE003, lr  }
0x1b: {  	s9 =	sadd.s32 $0xFFFFFEF7, lr;
	s5 =	simm.s32 $0xFFFFFFFF;
	p2 =	slt.u32 s8, $0xFFFFF086  }
0x1c: {  	p1 =	slt.u32 s9, $0xF7A;
	s5 =	simm.s32 @!p2 $0x0  }
0x1d: {  	s5 =	simm.s32 @p1 $0x1;
	p0 =	seq.s32 s7, s2  }
0x1e: {  	s7 =	smul.u32 @!p0 $0xF7A, s2;
	p2 =	seq.s32 @!p0 s5, $0x0  }
0x1f: {  	s9 =	smul.u32 $0xF7A, s1;
	s8 =	simm.s32 @!p0 $0x1BF5;
	p2 =	por !p2, p0  }
0x20: {  	[sflag:s8] =	ssyncset.s32 @!p0 $0xFFFFF086;
	s6 =	sadd.s32 @!p0 s3, s7;
	s7 =	simm.s32 @!p0 $0x108  }
0x21: {  	s3 =	sadd.s32 s3, s9;
	s6 =	sadd.s32 @!p0 $0x88, s6;
	s7 =	simm.s32 @p2 $0x1082  }
0x22: {  	[simem:s7], [sflag:s8] =	dma.local @!p0 [hbm:s6], $0xF7A  }
0x23: {  	s9 =	sor.u32 $0xD0000000, s2;
	s6 =	simm.s32 $0x108;
	_ =	swait.ge @!p0 [sflag:s8], $0x0  }
0x24: {  	s3 =	sadd.s32 $0x88, s3;
	s6 =	simm.s32 @!p1 $0x1082;
	[sflag:s4] =	ssyncset.s32 $0xFFFFF086  }
0x25: {  	[simem:s6], [sflag:s4] =	dma.local [hbm:s3], $0xF7A  }
0x26: {  	[smem:$0x3F9D] =	sst s1;
	(tag) =	ssettag s2;
	_ =	strace s9  }
0x27: {  	s1 =	sld [smem:$0x3FAD]  }
0x28: {  	s2 =	sld [smem:$0x3FAE]  }
0x29: {  	s4 =	sld [smem:$0x3FB0]  }
0x2a: {  	p0 =	seq.s32 s5, $0x0;
	s5 =	sld [smem:$0x3FB1]  }
0x2b: {  	s6 =	sld [smem:$0x3FB2]  }
0x2c: {  	s7 =	sld [smem:$0x3FB3]  }
0x2d: {  	s3 =	simm.s32 $0x108;
	s8 =	sld [smem:$0x3FB4]  }
0x2e: {  	s3 =	simm.s32 @!p0 $0x1082;
	s9 =	sld [smem:$0x3FB5]  }
0x2f: {  	lr =	sadd.s32 s0, s3;
	s0 =	sld [smem:$0x3FAC]  }
0x30: {  	s3 =	sld [smem:$0x3FAF]  }
0x31: {  	[smem:$0x3FB8] =	sst s10  }
0x32: {  	s10 =	sld [smem:$0x3FB6];
	_ =	sdelay $0x3  }
0x33: {  	p0 =	seq.s32 s10, $0x1;
	s10 =	sld [smem:$0x3FB8];
	_ =	sdelay $0x3  }
0x34: {  	[smem:$0x3FB8] =	sst s10  }
0x35: {  	s10 =	sld [smem:$0x3FB7];
	_ =	sdelay $0x3  }
0x36: {  	p1 =	seq.s32 s10, $0x1;
	s10 =	sld [smem:$0x3FB8];
	_ =	sdelay $0x3  }
0x37: {  	[smem:$0x3FB8] =	sst s10  }
0x38: {  	s10 =	sld [smem:$0x3FB9]  }
0x39: {  	_ = 	snop;
	(pc) =	sbr.ind lr, $3  }
0x3a: {  	_ = 	snop  }
0x3b: {  	_ = 	snop  }
0x3c: {  	p2 =	seq.s32 s10, $0x1;
	s10 =	sld [smem:$0x3FB8]  }
0x3d: {  	_ =	shalt  }
0x3e: {  	_ =	shalt  }
0x3f: {  	_ =	shalt  }
0x40: {  	_ =	shalt  }
0x41: {  	_ =	shalt  }
0x42: {  	_ =	shalt  }
0x43: {  	_ =	shalt  }
0x44: {  	_ =	shalt  }
0x45: {  	_ =	shalt  }
0x46: {  	_ =	shalt  }
0x47: {  	_ =	shalt  }
0x48: {  	_ =	shalt  }
0x49: {  	_ =	shalt  }
0x4a: {  	_ =	shalt  }
0x4b: {  	_ =	shalt  }
0x4c: {  	_ =	shalt  }
0x4d: {  	_ =	shalt  }
0x4e: {  	_ =	shalt  }
0x4f: {  	_ =	shalt  }
0x50: {  	_ =	shalt  }
0x51: {  	_ =	shalt  }
0x52: {  	_ =	shalt  }
0x53: {  	_ =	shalt  }
0x54: {  	_ =	shalt  }
0x55: {  	_ =	shalt  }
0x56: {  	_ =	shalt  }
0x57: {  	_ =	shalt  }
0x58: {  	_ =	shalt  }
0x59: {  	_ =	shalt  }
0x5a: {  	_ =	shalt  }
0x5b: {  	_ =	shalt  }
0x5c: {  	_ =	shalt  }
0x5d: {  	_ =	shalt  }
0x5e: {  	_ =	shalt  }
0x5f: {  	_ =	shalt  }
0x60: {  	_ =	shalt  }
0x61: {  	_ =	shalt  }
0x62: {  	_ =	shalt  }
0x63: {  	_ =	shalt  }
0x64: {  	_ =	shalt  }
0x65: {  	_ =	shalt  }
0x66: {  	_ =	shalt  }
0x67: {  	_ =	shalt  }
0x68: {  	_ =	shalt  }
0x69: {  	_ =	shalt  }
0x6a: {  	_ =	shalt  }
0x6b: {  	_ =	shalt  }
0x6c: {  	_ =	shalt  }
0x6d: {  	_ =	shalt  }
0x6e: {  	_ =	shalt  }
0x6f: {  	_ =	shalt  }
0x70: {  	_ =	shalt  }
0x71: {  	_ =	shalt  }
0x72: {  	_ =	shalt  }
0x73: {  	_ =	shalt  }
0x74: {  	_ =	shalt  }
0x75: {  	_ =	shalt  }
0x76: {  	_ =	shalt  }
0x77: {  	_ =	shalt  }
0x78: {  	_ =	shalt  }
0x79: {  	_ =	shalt  }
0x7a: {  	_ =	shalt  }
0x7b: {  	_ =	shalt  }
0x7c: {  	_ =	shalt  }
0x7d: {  	_ =	shalt  }
0x7e: {  	_ =	shalt  }
0x7f: {  	_ =	shalt  }
0x80: {  	_ =	shalt  }
0x81: {  	_ =	shalt  }
0x82: {  	_ =	shalt  }
0x83: {  	_ =	shalt  }
0x84: {  	_ =	shalt  }
0x85: {  	_ =	shalt  }
0x86: {  	_ =	shalt  }
0x87: {  	_ =	shalt  }
.Lfunc_end0:
.L_simem_size_0:
called_computation_lowered:
.L_overlay_start_0:
0x88: {  	s2 =	sld [smem:$0x3FD9]  }
0x89: {  	s3 =	sld [smem:$0x3FFE];
	_ =	sdelay $0x1  }
0x8a: {  	s1 =	srdreg.scid  }
0x8b: {  	s0 =	sand.u32 $0x1, s1  }
0x8c: {  	s17 =	sshll.u32 s0, $0xA;
	s2 =	sadd.s32 s3, s2  }
0x8d: {  	s2 =	sadd.s32 s2, s17  }
0x8e: {  	[smem:$0x3FC4] =	sst s2  }
0x8f: {  	_ = 	snop  }
0x90: {  	s2 =	sld [smem:$0x3FD0];
	(tm) =	ssettm $0x1  }
0x91: {  	s18 =	sld [smem:$0x3FFB];
	_ =	sdelay $0x3  }
0x92: {  	_ =	strace s18  }
0x93: {  	s3 =	sld [smem:$0x3FFC];
	_ =	sdelay $0x3  }
0x94: {  	_ =	strace s3  }
0x95: {  	s3 =	sld [smem:$0x3FFD];
	_ =	sdelay $0x3  }
0x96: {  	_ =	strace s3  }
0x97: {  	_ =	strace $0x8FFFFFFF  }
0x98: {  	s19 =	sld [smem:$0x3FDB];
	_ =	sdelay $0x1  }
0x99: {  	s4 =	simm.s32 $_scs_section_size  }
0x9a: {  	s5 =	simm.s32 $_size__tile_overlayer_lowered;
	s6 =	simm.s32 $_tile_overlayer_lowered  }
0x9b: {  	s22 =	simm.s32 $0x1BFF;
	s21 =	sshll.u32 s6, $0x1;
	s3 =	sadd.s32 s4, s19  }
0x9c: {  	s7 =	simm.s32 $0x0;
	s20 =	sshll.u32 s5, $0x1;
	s5 =	sadd.s32 s21, s3  }
0x9d: {  	[timem:s7], [sflag:s22] =	dma.local [hbm:s5], s20  }
0x9e: {  	_ =	swait.ge [sflag:s22], s20  }
0x9f: {  	s4 =	ssub.s32 $0x0, s20;
	[sflag:s22] =	ssyncset.done $0x0  }
0xa0: {  	[sflag:s22] =	ssyncadd.s32 s4;
	_ =	sdelay $0x1  }
0xa1: {  	s23 =	simm.s32 $0x1B8B  }
0xa2: {  	_ =	swait.ge [sflag:s23], $0x1  }
0xa3: {  	[sflag:s23] =	ssyncset.done $0x0  }
0xa4: {  	s25 =	simm.s32 $0x1B8E;
	s24 =	sld [smem:$0x3FFE];
	[sflag:s23] =	ssyncadd.s32 $0xFFFFFFFF  }
0xa5: {  	s26 =	simm.s32 $execute0_lowered;
	[smem:$0x3FD2] =	sst s25  }
0xa6: {  	s5 =	sshll.u32 s26, $0x1;
	_ =	strace $0x80000046;
	[dreg:$0x1] =	wrdreg $0xFFFFFFFF  }
0xa7: {  	s28 =	simm.s32 $_size_execute0_lowered;
	s3 =	sadd.s32 s3, s5;
	[dreg:$0x0] =	wrdreg $0x0  }
0xa8: {  	s5 =	sshll.u32 s28, $0x1;
	[dreg:$0x2] =	wrdreg s3  }
0xa9: {  	[dreg:$0x3] =	wrdreg s5  }
0xaa: {  	[dreg:$0x4] =	wrdreg $0xC0  }
0xab: {  	_ =	task [dreg:s7], $0x5FFFF  }
0xac: {  	[dreg:$0x1] =	wrdreg $0xFFFFFFFF  }
0xad: {  	[dreg:$0x0] =	wrdreg $0x60  }
0xae: {  	[dreg:$0x2] =	wrdreg s2  }
0xaf: {  	[dreg:$0x3] =	wrdreg s24  }
0xb0: {  	[dreg:$0x4] =	wrdreg $0xAAA00  }
0xb1: {  	[dreg:$0x5] =	wrdreg $0x9  }
0xb2: {  	_ =	task.clear_ibuf [dreg:s7], $0x6FFFF;
	_ =	strace $0x90000046  }
0xb3: {  	s29 =	simm.s32 $0x9;
	_ =	strace $0x80000048  }
0xb4: {  	_ =	swait.ge [sflag:s29], $0x1  }
0xb5: {  	[sflag:s29] =	ssyncadd.s32 $0xFFFFFFFF  }
0xb6: {  	_ =	strace $0x90000048  }
0xb7: {  	_ =	sfence  }
0xb8: {  	s30 =	sld [smem:$0x0];
	_ =	sdelay $0x2  }
0xb9: {  	s31 =	sshll.u32 s1, $0xD;
	s1 =	sshrl.u32 s1, $0x2  }
0xba: {  	s3 =	sand.u32 $0x4000, s31;
	s1 =	sadd.s32 s1, s30  }
0xbb: {  	s0 =	sor.u32 s3, s0;
	s1 =	sshll.u32 s1, $0x11  }
0xbc: {  	s0 =	sor.u32 s1, s0  }
0xbd: {  	s0 =	sadd.s32 $0x8F2B, s0  }
0xbe: {  	[sflag:s0] =	ssyncadd.remote.s32 $0x1  }
0xbf: {  	_ =	sfence.sel $0xFFFF  }
0xc0: {  	[dreg:$0x0] =	wrdreg $0xFFFFFFFF;
	(pc) =	sbr.abs _section_cstart, $3  }
0xc1: {  	[dreg:$0x1] =	wrdreg $0xFFFFFFFF  }
0xc2: {  	_ =	task.clear_ibuf [dreg:s7], $0x2FFFF;
	_ =	strace $0x9FFFFFFF  }
0xc3: {  	(tm) =	ssettm $0x7FFFFFFF  }
tec
execute0_lowered:
.L_overlay_start_1:
0x0: {  	(tag) =	ssettag $0x1  }
0x1: {  	s0 =	srdreg.scid  }
0x2: {  	s1 =	stileid.u32;
	s6 =	sand.u32 $0x1, s0  }
0x3: {  	s3 =	rddreg [dreg:$0x1];
	s2 =	simm.s32 $0x0;
	s0 =	sshll.u32 s6, $0x4  }
0x4: {  	[smem:$0x7FF] =	sst s2;
	s0 =	sor.u32 s1, s0;
	s1 =	smul.u32 $0x13880, s1  }
0x5: {  	s12 =	sadd.s32 $0x14200, s3;
	s4 =	ssub.s32 $0x2, s6;
	s14 =	smul.u32 $0x138800, s6  }
0x6: {  	s19 =	sshrl.u32 s4, $0x1;
	s0 =	smul.u32 $0x4E2, s0;
	s5 =	sadd.s32 $0x2580, s1  }
0x7: {  	s6 =	sadd.s32 $0x3200, s1;
	s7 =	sadd.s32 $0x3E80, s1;
	s8 =	sadd.s32 $0x4B00, s1  }
0x8: {  	s9 =	sadd.s32 $0x5780, s1;
	s10 =	sadd.s32 $0x6400, s1;
	s13 =	sadd.s32 s1, s14  }
0x9: {  	s11 =	sadd.s32 $0x7080, s1;
	s29 =	sadd.s32 $0x11300, s1;
	s2 =	sadd.s32 s0, s3  }
0xa: {  	s0 =	ssub.s32 s4, s19;
	s3 =	sadd.s32 $0xC80, s1;
	s4 =	sadd.s32 $0x1900, s1  }
0xb: {  	s15 =	sshrl.u32 s13, $0x3;
	s13 =	sadd.s32 $0x7D00, s1;
	s24 =	sadd.s32 s14, s5  }
0xc: {  	s17 =	sadd.s32 s14, s6;
	s18 =	sadd.s32 s14, s8;
	s19 =	sadd.s32 s14, s9  }
0xd: {  	s30 =	sadd.s32 s14, s29;
	[smem:$0x7FC] =	sst s0;
	s16 =	sadd.s32 s14, s3  }
0xe: {  	s20 =	sadd.s32 s12, s15;
	s23 =	sadd.s32 s14, s4;
	s0 =	sshrl.u32 s17, $0x3  }
0xf: {  	s17 =	sadd.s32 s14, s7;
	[dreg:$0x4] =	wrdreg s20;
	s21 =	sshrl.u32 s16, $0x3  }
0x10: {  	s15 =	sshrl.u32 s23, $0x3;
	s16 =	sshrl.u32 s24, $0x3;
	s22 =	sadd.s32 s12, s21  }
0x11: {  	s24 =	sadd.s32 s14, s10;
	s25 =	sadd.s32 s12, s15;
	[dreg:$0x5] =	wrdreg s22  }
0x12: {  	s26 =	sadd.s32 s12, s16;
	s16 =	sadd.s32 s12, s0;
	[dreg:$0x6] =	wrdreg s25  }
0x13: {  	s15 =	sshrl.u32 s17, $0x3;
	s17 =	sadd.s32 $0xA280, s1;
	[dreg:$0x7] =	wrdreg s26  }
0x14: {  	[dreg:$0x8] =	wrdreg s16;
	s16 =	sshrl.u32 s18, $0x3;
	s20 =	sadd.s32 s12, s15  }
0x15: {  	s22 =	sshrl.u32 s19, $0x3;
	s25 =	sadd.s32 s14, s11;
	s15 =	sshrl.u32 s24, $0x3  }
0x16: {  	s26 =	sadd.s32 s14, s13;
	[dreg:$0x9] =	wrdreg s20;
	s21 =	sadd.s32 s12, s16  }
0x17: {  	s23 =	sadd.s32 s12, s22;
	s16 =	sshrl.u32 s25, $0x3;
	[dreg:$0xa] =	wrdreg s21  }
0x18: {  	s18 =	sadd.s32 s12, s15;
	s20 =	sshrl.u32 s26, $0x3;
	[dreg:$0xb] =	wrdreg s23  }
0x19: {  	s15 =	sadd.s32 $0x8980, s1;
	[dreg:$0xc] =	wrdreg s18;
	s19 =	sadd.s32 s12, s16  }
0x1a: {  	s21 =	sadd.s32 s12, s20;
	s16 =	sadd.s32 $0x9600, s1;
	[dreg:$0xd] =	wrdreg s19  }
0x1b: {  	s18 =	sadd.s32 s14, s15;
	s20 =	sadd.s32 s14, s17;
	[dreg:$0xe] =	wrdreg s21  }
0x1c: {  	s19 =	sadd.s32 s14, s16;
	s18 =	sshrl.u32 s18, $0x3;
	s24 =	sshrl.u32 s20, $0x3  }
0x1d: {  	s20 =	sadd.s32 $0xC800, s1;
	s19 =	sshrl.u32 s19, $0x3;
	s22 =	sadd.s32 s12, s18  }
0x1e: {  	s25 =	sadd.s32 s12, s24;
	s18 =	sadd.s32 $0xAF00, s1;
	[dreg:$0xf] =	wrdreg s22  }
0x1f: {  	s23 =	sadd.s32 s12, s19;
	s19 =	sadd.s32 $0xBB80, s1;
	s21 =	sadd.s32 s14, s18  }
0x20: {  	[dreg:$0x11] =	wrdreg s25;
	s22 =	sadd.s32 s14, s19;
	s21 =	sshrl.u32 s21, $0x3  }
0x21: {  	[dreg:$0x10] =	wrdreg s23;
	s22 =	sshrl.u32 s22, $0x3;
	s26 =	sadd.s32 s12, s21  }
0x22: {  	s23 =	sadd.s32 s14, s20;
	[dreg:$0x12] =	wrdreg s26;
	s21 =	sadd.s32 s12, s22  }
0x23: {  	s22 =	sshrl.u32 s23, $0x3;
	[dreg:$0x13] =	wrdreg s21;
	s21 =	sadd.s32 $0xD480, s1  }
0x24: {  	s23 =	sadd.s32 s12, s22;
	s22 =	sadd.s32 $0xE100, s1;
	s24 =	sadd.s32 s14, s21  }
0x25: {  	[dreg:$0x14] =	wrdreg s23;
	s25 =	sadd.s32 s14, s22;
	s24 =	sshrl.u32 s24, $0x3  }
0x26: {  	s23 =	sadd.s32 $0xED80, s1;
	s25 =	sshrl.u32 s25, $0x3;
	s24 =	sadd.s32 s12, s24  }
0x27: {  	s26 =	sadd.s32 s14, s23;
	[dreg:$0x15] =	wrdreg s24;
	s24 =	sadd.s32 s12, s25  }
0x28: {  	s25 =	sshrl.u32 s26, $0x3;
	[dreg:$0x16] =	wrdreg s24;
	s24 =	sadd.s32 $0xFA00, s1  }
0x29: {  	s26 =	sadd.s32 s12, s25;
	s25 =	sadd.s32 $0x10680, s1;
	s0 =	sadd.s32 s14, s24  }
0x2a: {  	[dreg:$0x17] =	wrdreg s26;
	s28 =	sadd.s32 s14, s25;
	s26 =	sshrl.u32 s0, $0x3  }
0x2b: {  	s28 =	sshrl.u32 s28, $0x3;
	s0 =	sshrl.u32 s30, $0x3;
	s26 =	sadd.s32 s12, s26  }
0x2c: {  	s30 =	sadd.s32 $0x11F80, s1;
	[dreg:$0x18] =	wrdreg s26;
	s26 =	sadd.s32 s12, s28  }
0x2d: {  	s31 =	sadd.s32 $0x12C00, s1;
	s28 =	sadd.s32 s14, s30;
	[dreg:$0x19] =	wrdreg s26  }
0x2e: {  	s26 =	sadd.s32 s12, s0;
	s0 =	sshrl.u32 s28, $0x3;
	s28 =	rddreg [dreg:$0x2]  }
0x2f: {  	s14 =	sadd.s32 s14, s31;
	[dreg:$0x1a] =	wrdreg s26  }
0x30: {  	s14 =	sshrl.u32 s14, $0x3;
	s26 =	rddreg [dreg:$0x0];
	s0 =	sadd.s32 s12, s0  }
0x31: {  	s14 =	sadd.s32 s12, s14;
	[dreg:$0x1b] =	wrdreg s0  }
0x32: {  	s12 =	sadd.s32 $0xA400, s2;
	[dreg:$0x1c] =	wrdreg s14  }
0x33: {  	s14 =	sadd.s32 $0x600, s2;
	_ =	strace $0x80000047;
	[dreg:$0x1d] =	wrdreg s12  }
0x34: {  	s2 =	sadd.s32 s1, s28;
	[dreg:$0x1e] =	wrdreg s14  }
0x35: {  	s3 =	sadd.s32 s3, s28;
	[dreg:$0x1f] =	wrdreg s2  }
0x36: {  	s4 =	sadd.s32 s4, s28;
	[smem:$0x7F4] =	sst s3  }
0x37: {  	s5 =	sadd.s32 s5, s28;
	[smem:$0x7F5] =	sst s4  }
0x38: {  	s6 =	sadd.s32 s6, s28;
	[smem:$0x7F6] =	sst s5  }
0x39: {  	s7 =	sadd.s32 s7, s28;
	s9 =	sadd.s32 s9, s28;
	[smem:$0x7F7] =	sst s6  }
0x3a: {  	s8 =	sadd.s32 s8, s28;
	s10 =	sadd.s32 s10, s28;
	[smem:$0x7F8] =	sst s9  }
0x3b: {  	s1 =	simm.s32 $0x1;
	[smem:$0x7F9] =	sst s10;
	s12 =	sadd.s32 s11, s28  }
0x3c: {  	s14 =	sadd.s32 s13, s28;
	s11 =	sadd.s32 s15, s28;
	s13 =	sadd.s32 s17, s28  }
0x3d: {  	s15 =	sadd.s32 s19, s28;
	s17 =	sadd.s32 s21, s28;
	s19 =	sadd.s32 s23, s28  }
0x3e: {  	s21 =	sadd.s32 s25, s28;
	s23 =	sadd.s32 s30, s28;
	[smem:$0x7FA] =	sst s12  }
0x3f: {  	s30 =	simm.s32 $0x3;
	s2 =	simm.s32 $0x2;
	[smem:$0x7FB] =	sst s14  }
0x40: {  	s3 =	simm.s32 $0x0;
	s12 =	sadd.s32 s16, s28;
	s25 =	sld [smem:$0x7FC]  }
0x41: {  	s14 =	sadd.s32 s18, s28;
	s16 =	sadd.s32 s20, s28;
	s18 =	sadd.s32 s22, s28  }
0x42: {  	s20 =	sadd.s32 s24, s28;
	s22 =	sadd.s32 s29, s28;
	s24 =	sadd.s32 s31, s28  }
0x43: {  	s31 =	simm.s32 $0x9E20;
	s29 =	simm.s32 $0x4E20;
	s0 =	smax.u32 s25, $0x1  }
0x44: {  	v0 =	vimm.f32 $0.0e+00;
	s25 =	simm.s32 $0x50;
	[smem:$0x7FD] =	sst s0;
	s0 =	simm.s32 $0x7620  }
.LBB2_1:
0x45: {  	s4 =	simm.s32 $0x0;
	s5 =	rddreg [dreg:$0x1d]  }
0x46: {  	[tilespmem:s4], [sflag:$0x3] =	stream.linear.gather [hbm4b:s5+s4], $0x2710, $0x38;
	[tilespmem:$0x1E320] =	vst v63  }
0x47: {  	_ =	swait.ge [sflag:s30], $0x2710  }
0x48: {  	[sflag:s30] =	ssyncset.done $0x0  }
0x49: {  	s6 =	simm.s32 $0x2710;
	s10 =	rddreg [dreg:$0x1e];
	[sflag:s30] =	ssyncadd.s32 $0xFFFFD8F0  }
0x4a: {  	[tilespmem:s6], [sflag:$0x3] =	stream.linear.gather [hbm4b:s10+s4], $0x2710, $0x38;
	[tilespmem:$0x1E320] =	vst v63  }
0x4b: {  	_ =	swait.ge [sflag:s30], $0x2710  }
0x4c: {  	[sflag:s30] =	ssyncset.done $0x0  }
0x4d: {  	s5 =	simm.s32 $0x200;
	s4 =	simm.s32 $0x0;
	[sflag:s30] =	ssyncadd.s32 $0xFFFFD8F0  }
.LBB2_2:
0x4e: {  	p0 =	sne.s32 s5, $0x3000;
	[tilespmem:s4+$0x9E90] =	vst v0  }
0x4f: {  	[tilespmem:s4+$0x9E20] =	vst v0  }
0x50: {  	[tilespmem:s4+$0x9E30] =	vst v0  }
.Ltmp0:
0x51: {  	[tilespmem:s4+$0x9E40] =	vst v0;
	(pc) =	sbr.rel @p0 .LBB2_2-.Ltmp0, $4  }
0x52: {  	[tilespmem:s4+$0x9E50] =	vst v0  }
0x53: {  	[tilespmem:s4+$0x9E60] =	vst v0  }
0x54: {  	[tilespmem:s4+$0x9E70] =	vst v0  }
0x55: {  	[tilespmem:s4+$0x9E80] =	vst v0;
	s4 =	sshra.s32 s5, $0x2;
	s5 =	sadd.s32 $0x200, s5  }
0x56: {  	[tilespmem:s4+$0x9E90] =	vst v0  }
0x57: {  	[tilespmem:s4+$0x9E20] =	vst v0  }
0x58: {  	[tilespmem:s4+$0x9E30] =	vst v0  }
0x59: {  	[tilespmem:s4+$0x9E40] =	vst v0  }
0x5a: {  	[tilespmem:s4+$0x9E50] =	vst v0  }
0x5b: {  	[tilespmem:s4+$0x9E60] =	vst v0  }
0x5c: {  	[tilespmem:s4+$0x9E70] =	vst v0  }
0x5d: {  	[tilespmem:s4+$0x9E80] =	vst v0;
	s6 =	rddreg [dreg:$0x1f]  }
0x5e: {  	[spmem:s6] =	stream.linear.scatter [tilespmem:s31], [sflag:$0x3], $0xC80, $0x38;
	[tilespmem:$0x1E320] =	vst v63  }
0x5f: {  	_ =	swait.ge [sflag:s30], $0xC80  }
0x60: {  	s9 =	sld [smem:$0x7F4]  }
0x61: {  	[sflag:s30] =	ssyncset.done $0x0  }
0x62: {  	[sflag:s30] =	ssyncadd.s32 $0xFFFFF380  }
0x63: {  	[spmem:s9] =	stream.linear.scatter [tilespmem:s31], [sflag:$0x3], $0xC80, $0x38;
	[tilespmem:$0x1E320] =	vst v63  }
0x64: {  	_ =	swait.ge [sflag:s30], $0xC80  }
0x65: {  	s10 =	sld [smem:$0x7F5]  }
0x66: {  	[sflag:s30] =	ssyncset.done $0x0  }
0x67: {  	[sflag:s30] =	ssyncadd.s32 $0xFFFFF380  }
0x68: {  	[spmem:s10] =	stream.linear.scatter [tilespmem:s31], [sflag:$0x3], $0xC80, $0x38;
	[tilespmem:$0x1E320] =	vst v63  }
0x69: {  	_ =	swait.ge [sflag:s30], $0xC80  }
0x6a: {  	s5 =	sld [smem:$0x7F6]  }
0x6b: {  	[sflag:s30] =	ssyncset.done $0x0  }
0x6c: {  	[sflag:s30] =	ssyncadd.s32 $0xFFFFF380  }
0x6d: {  	[spmem:s5] =	stream.linear.scatter [tilespmem:s31], [sflag:$0x3], $0xC80, $0x38;
	[tilespmem:$0x1E320] =	vst v63  }
0x6e: {  	_ =	swait.ge [sflag:s30], $0xC80  }
0x6f: {  	s6 =	sld [smem:$0x7F7]  }
0x70: {  	[sflag:s30] =	ssyncset.done $0x0  }
0x71: {  	[sflag:s30] =	ssyncadd.s32 $0xFFFFF380  }
0x72: {  	[spmem:s6] =	stream.linear.scatter [tilespmem:s31], [sflag:$0x3], $0xC80, $0x38;
	[tilespmem:$0x1E320] =	vst v63  }
0x73: {  	_ =	swait.ge [sflag:s30], $0xC80  }
0x74: {  	[sflag:s30] =	ssyncset.done $0x0  }
0x75: {  	[sflag:s30] =	ssyncadd.s32 $0xFFFFF380  }
0x76: {  	[spmem:s7] =	stream.linear.scatter [tilespmem:s31], [sflag:$0x3], $0xC80, $0x38;
	[tilespmem:$0x1E320] =	vst v63  }
0x77: {  	_ =	swait.ge [sflag:s30], $0xC80  }
0x78: {  	[sflag:s30] =	ssyncset.done $0x0  }
0x79: {  	[sflag:s30] =	ssyncadd.s32 $0xFFFFF380  }
0x7a: {  	[spmem:s8] =	stream.linear.scatter [tilespmem:s31], [sflag:$0x3], $0xC80, $0x38;
	[tilespmem:$0x1E320] =	vst v63  }
0x7b: {  	_ =	swait.ge [sflag:s30], $0xC80  }
0x7c: {  	s10 =	smov.u32 s8;
	s8 =	sld [smem:$0x7F8]  }
0x7d: {  	[sflag:s30] =	ssyncset.done $0x0  }
0x7e: {  	[sflag:s30] =	ssyncadd.s32 $0xFFFFF380  }
0x7f: {  	[spmem:s8] =	stream.linear.scatter [tilespmem:s31], [sflag:$0x3], $0xC80, $0x38;
	[tilespmem:$0x1E320] =	vst v63  }
0x80: {  	_ =	swait.ge [sflag:s30], $0xC80  }
0x81: {  	s5 =	sld [smem:$0x7F9]  }
0x82: {  	[sflag:s30] =	ssyncset.done $0x0  }
0x83: {  	[sflag:s30] =	ssyncadd.s32 $0xFFFFF380  }
0x84: {  	[spmem:s5] =	stream.linear.scatter [tilespmem:s31], [sflag:$0x3], $0xC80, $0x38;
	[tilespmem:$0x1E320] =	vst v63  }
0x85: {  	_ =	swait.ge [sflag:s30], $0xC80  }
0x86: {  	s6 =	sld [smem:$0x7FA]  }
0x87: {  	[sflag:s30] =	ssyncset.done $0x0  }
0x88: {  	[sflag:s30] =	ssyncadd.s32 $0xFFFFF380  }
0x89: {  	[spmem:s6] =	stream.linear.scatter [tilespmem:s31], [sflag:$0x3], $0xC80, $0x38;
	[tilespmem:$0x1E320] =	vst v63  }
0x8a: {  	_ =	swait.ge [sflag:s30], $0xC80  }
0x8b: {  	s9 =	smov.u32 s7;
	s7 =	sld [smem:$0x7FB]  }
0x8c: {  	[sflag:s30] =	ssyncset.done $0x0  }
0x8d: {  	[sflag:s30] =	ssyncadd.s32 $0xFFFFF380  }
0x8e: {  	[spmem:s7] =	stream.linear.scatter [tilespmem:s31], [sflag:$0x3], $0xC80, $0x38;
	[tilespmem:$0x1E320] =	vst v63  }
0x8f: {  	_ =	swait.ge [sflag:s30], $0xC80  }
0x90: {  	[sflag:s30] =	ssyncset.done $0x0  }
0x91: {  	[sflag:s30] =	ssyncadd.s32 $0xFFFFF380  }
0x92: {  	[spmem:s11] =	stream.linear.scatter [tilespmem:s31], [sflag:$0x3], $0xC80, $0x38;
	[tilespmem:$0x1E320] =	vst v63  }
0x93: {  	_ =	swait.ge [sflag:s30], $0xC80  }
0x94: {  	[sflag:s30] =	ssyncset.done $0x0  }
0x95: {  	[sflag:s30] =	ssyncadd.s32 $0xFFFFF380  }
0x96: {  	[spmem:s12] =	stream.linear.scatter [tilespmem:s31], [sflag:$0x3], $0xC80, $0x38;
	[tilespmem:$0x1E320] =	vst v63  }
0x97: {  	_ =	swait.ge [sflag:s30], $0xC80  }
0x98: {  	[sflag:s30] =	ssyncset.done $0x0  }
0x99: {  	[sflag:s30] =	ssyncadd.s32 $0xFFFFF380  }
0x9a: {  	[spmem:s13] =	stream.linear.scatter [tilespmem:s31], [sflag:$0x3], $0xC80, $0x38;
	[tilespmem:$0x1E320] =	vst v63  }
0x9b: {  	_ =	swait.ge [sflag:s30], $0xC80  }
0x9c: {  	[sflag:s30] =	ssyncset.done $0x0  }
0x9d: {  	[sflag:s30] =	ssyncadd.s32 $0xFFFFF380  }
0x9e: {  	[spmem:s14] =	stream.linear.scatter [tilespmem:s31], [sflag:$0x3], $0xC80, $0x38;
	[tilespmem:$0x1E320] =	vst v63  }
0x9f: {  	_ =	swait.ge [sflag:s30], $0xC80  }
0xa0: {  	[sflag:s30] =	ssyncset.done $0x0  }
0xa1: {  	[sflag:s30] =	ssyncadd.s32 $0xFFFFF380  }
0xa2: {  	[spmem:s15] =	stream.linear.scatter [tilespmem:s31], [sflag:$0x3], $0xC80, $0x38;
	[tilespmem:$0x1E320] =	vst v63  }
0xa3: {  	_ =	swait.ge [sflag:s30], $0xC80  }
0xa4: {  	[sflag:s30] =	ssyncset.done $0x0  }
0xa5: {  	[sflag:s30] =	ssyncadd.s32 $0xFFFFF380  }
0xa6: {  	[spmem:s16] =	stream.linear.scatter [tilespmem:s31], [sflag:$0x3], $0xC80, $0x38;
	[tilespmem:$0x1E320] =	vst v63  }
0xa7: {  	_ =	swait.ge [sflag:s30], $0xC80  }
0xa8: {  	[sflag:s30] =	ssyncset.done $0x0  }
0xa9: {  	[sflag:s30] =	ssyncadd.s32 $0xFFFFF380  }
0xaa: {  	[spmem:s17] =	stream.linear.scatter [tilespmem:s31], [sflag:$0x3], $0xC80, $0x38;
	[tilespmem:$0x1E320] =	vst v63  }
0xab: {  	_ =	swait.ge [sflag:s30], $0xC80  }
0xac: {  	[sflag:s30] =	ssyncset.done $0x0  }
0xad: {  	[sflag:s30] =	ssyncadd.s32 $0xFFFFF380  }
0xae: {  	[spmem:s18] =	stream.linear.scatter [tilespmem:s31], [sflag:$0x3], $0xC80, $0x38;
	[tilespmem:$0x1E320] =	vst v63  }
0xaf: {  	_ =	swait.ge [sflag:s30], $0xC80  }
0xb0: {  	[sflag:s30] =	ssyncset.done $0x0  }
0xb1: {  	[sflag:s30] =	ssyncadd.s32 $0xFFFFF380  }
0xb2: {  	[spmem:s19] =	stream.linear.scatter [tilespmem:s31], [sflag:$0x3], $0xC80, $0x38;
	[tilespmem:$0x1E320] =	vst v63  }
0xb3: {  	_ =	swait.ge [sflag:s30], $0xC80  }
0xb4: {  	[sflag:s30] =	ssyncset.done $0x0  }
0xb5: {  	[sflag:s30] =	ssyncadd.s32 $0xFFFFF380  }
0xb6: {  	[spmem:s20] =	stream.linear.scatter [tilespmem:s31], [sflag:$0x3], $0xC80, $0x38;
	[tilespmem:$0x1E320] =	vst v63  }
0xb7: {  	_ =	swait.ge [sflag:s30], $0xC80  }
0xb8: {  	[sflag:s30] =	ssyncset.done $0x0  }
0xb9: {  	[sflag:s30] =	ssyncadd.s32 $0xFFFFF380  }
0xba: {  	[spmem:s21] =	stream.linear.scatter [tilespmem:s31], [sflag:$0x3], $0xC80, $0x38;
	[tilespmem:$0x1E320] =	vst v63  }
0xbb: {  	_ =	swait.ge [sflag:s30], $0xC80  }
0xbc: {  	[sflag:s30] =	ssyncset.done $0x0  }
0xbd: {  	[sflag:s30] =	ssyncadd.s32 $0xFFFFF380  }
0xbe: {  	[spmem:s22] =	stream.linear.scatter [tilespmem:s31], [sflag:$0x3], $0xC80, $0x38;
	[tilespmem:$0x1E320] =	vst v63  }
0xbf: {  	_ =	swait.ge [sflag:s30], $0xC80  }
0xc0: {  	[sflag:s30] =	ssyncset.done $0x0  }
0xc1: {  	[sflag:s30] =	ssyncadd.s32 $0xFFFFF380  }
0xc2: {  	[spmem:s23] =	stream.linear.scatter [tilespmem:s31], [sflag:$0x3], $0xC80, $0x38;
	[tilespmem:$0x1E320] =	vst v63  }
0xc3: {  	_ =	swait.ge [sflag:s30], $0xC80  }
0xc4: {  	[sflag:s30] =	ssyncset.done $0x0  }
0xc5: {  	[sflag:s30] =	ssyncadd.s32 $0xFFFFF380  }
0xc6: {  	[spmem:s24] =	stream.linear.scatter [tilespmem:s31], [sflag:$0x3], $0xC80, $0x38;
	[tilespmem:$0x1E320] =	vst v63  }
0xc7: {  	_ =	swait.ge [sflag:s30], $0xC80  }
0xc8: {  	[sflag:s30] =	ssyncset.done $0x0  }
0xc9: {  	[sflag:s30] =	ssyncadd.s32 $0xFFFFF380  }
0xca: {  	s8 =	simm.s32 $0x0;
	[bflag:$0x0] =	sbarrier.arrive $0xFFFF  }
0xcb: {  	[tilespmem:s29], [sflag:$0x1] =	stream.indirect.gather [hbm4b:s26+s25], $0x80, s8, s25, $0xb8;
	[tilespmem:$0x1E320] =	vst v63  }
0xcc: {  	s5 =	simm.s32 $0x50  }
0xcd: {  	[tilespmem:s0], [sflag:$0x2] =	stream.indirect.gather [hbm4b:s26+s25], $0x80, s5, s25, $0xb8;
	[tilespmem:$0x1E320] =	vst v63  }
0xce: {  	_ =	swait.ge [sflag:s1], $0x2800  }
0xcf: {  	[sflag:s1] =	ssyncset.done $0x0  }
0xd0: {  	s6 =	simm.s32 $0x2710;
	[sflag:s1] =	ssyncadd.s32 $0xFFFFD800  }
0xd1: {  	[spmem:s28] =	stream.indirect.scatter.add.f32 [tilespmem:s29], [sflag:$0x3], $0x80, s6, s25, $0xb8;
	[tilespmem:$0x1E320] =	vst v63  }
0xd2: {  	_ =	swait.ge [sflag:s30], $0x2800  }
0xd3: {  	[sflag:s30] =	ssyncset.done $0x0  }
0xd4: {  	s7 =	simm.s32 $0xA0;
	[sflag:s30] =	ssyncadd.s32 $0xFFFFD800  }
0xd5: {  	[tilespmem:s29], [sflag:$0x1] =	stream.indirect.gather [hbm4b:s26+s25], $0x80, s7, s25, $0xb8;
	[tilespmem:$0x1E320] =	vst v63  }
0xd6: {  	_ =	swait.ge [sflag:s2], $0x2800  }
0xd7: {  	[sflag:s2] =	ssyncset.done $0x0  }
0xd8: {  	s8 =	simm.s32 $0x2760;
	[sflag:s2] =	ssyncadd.s32 $0xFFFFD800  }
0xd9: {  	[spmem:s28] =	stream.indirect.scatter.add.f32 [tilespmem:s0], [sflag:$0x3], $0x80, s8, s25, $0xb8;
	[tilespmem:$0x1E320] =	vst v63  }
0xda: {  	_ =	swait.ge [sflag:s30], $0x2800  }
0xdb: {  	s4 =	simm.s32 $0xA0;
	s5 =	simm.s32 $0x500;
	[sflag:s30] =	ssyncset.done $0x0  }
.LBB2_4:
0xdc: {  	s6 =	sadd.s32 $0x50, s4  }
0xdd: {  	[sflag:s30] =	ssyncadd.s32 $0xFFFFD800;
	s7 =	smov.u32 s5;
	s8 =	sadd.s32 $0x280, s5  }
0xde: {  	[tilespmem:s0], [sflag:$0x2] =	stream.indirect.gather [hbm4b:s26+s25], $0x80, s6, s25, $0xb8;
	[tilespmem:$0x1E320] =	vst v63  }
0xdf: {  	p0 =	sne.s32 s5, $0x9880;
	_ =	swait.ge [sflag:s1], $0x2800  }
0xe0: {  	[sflag:s1] =	ssyncset.done $0x0  }
0xe1: {  	s5 =	sadd.s32 $0x2710, s4;
	[sflag:s1] =	ssyncadd.s32 $0xFFFFD800  }
0xe2: {  	[spmem:s28] =	stream.indirect.scatter.add.f32 [tilespmem:s29], [sflag:$0x3], $0x80, s5, s25, $0xb8;
	[tilespmem:$0x1E320] =	vst v63  }
0xe3: {  	_ =	swait.ge [sflag:s30], $0x2800  }
0xe4: {  	[sflag:s30] =	ssyncset.done $0x0  }
0xe5: {  	s5 =	sadd.s32 $0xA0, s4;
	[sflag:s30] =	ssyncadd.s32 $0xFFFFD800  }
0xe6: {  	[tilespmem:s29], [sflag:$0x1] =	stream.indirect.gather [hbm4b:s26+s25], $0x80, s5, s25, $0xb8;
	[tilespmem:$0x1E320] =	vst v63  }
0xe7: {  	_ =	swait.ge [sflag:s2], $0x2800  }
.Ltmp1:
0xe8: {  	[sflag:s2] =	ssyncset.done $0x0;
	(pc) =	sbr.rel @p0 .LBB2_4-.Ltmp1, $4  }
0xe9: {  	s4 =	sadd.s32 $0x2760, s4;
	[sflag:s2] =	ssyncadd.s32 $0xFFFFD800  }
0xea: {  	[spmem:s28] =	stream.indirect.scatter.add.f32 [tilespmem:s0], [sflag:$0x3], $0x80, s4, s25, $0xb8;
	[tilespmem:$0x1E320] =	vst v63  }
0xeb: {  	_ =	swait.ge [sflag:s30], $0x2800  }
0xec: {  	s5 =	smov.u32 s8;
	s4 =	sshra.s32 s7, $0x2;
	[sflag:s30] =	ssyncset.done $0x0  }
0xed: {  	s5 =	sadd.s32 $0x50, s4;
	[sflag:s30] =	ssyncadd.s32 $0xFFFFD800  }
0xee: {  	[tilespmem:s0], [sflag:$0x2] =	stream.indirect.gather [hbm4b:s26+s25], $0x80, s5, s25, $0xb8;
	[tilespmem:$0x1E320] =	vst v63  }
0xef: {  	_ =	swait.ge [sflag:s1], $0x2800  }
0xf0: {  	[sflag:s1] =	ssyncset.done $0x0  }
0xf1: {  	s8 =	sadd.s32 $0x2710, s4;
	[sflag:s1] =	ssyncadd.s32 $0xFFFFD800  }
0xf2: {  	[spmem:s28] =	stream.indirect.scatter.add.f32 [tilespmem:s29], [sflag:$0x3], $0x80, s8, s25, $0xb8;
	[tilespmem:$0x1E320] =	vst v63  }
0xf3: {  	_ =	swait.ge [sflag:s30], $0x2800  }
0xf4: {  	[sflag:s30] =	ssyncset.done $0x0  }
0xf5: {  	s6 =	sadd.s32 $0xA0, s4;
	[sflag:s30] =	ssyncadd.s32 $0xFFFFD800  }
0xf6: {  	[tilespmem:s29], [sflag:$0x1] =	stream.indirect.gather [hbm4b:s26+s25], $0x80, s6, s25, $0xb8;
	[tilespmem:$0x1E320] =	vst v63  }
0xf7: {  	_ =	swait.ge [sflag:s2], $0x2800  }
0xf8: {  	[sflag:s2] =	ssyncset.done $0x0  }
0xf9: {  	s7 =	sadd.s32 $0x2760, s4;
	[sflag:s2] =	ssyncadd.s32 $0xFFFFD800  }
0xfa: {  	[spmem:s28] =	stream.indirect.scatter.add.f32 [tilespmem:s0], [sflag:$0x3], $0x80, s7, s25, $0xb8;
	[tilespmem:$0x1E320] =	vst v63  }
0xfb: {  	_ =	swait.ge [sflag:s30], $0x2800  }
0xfc: {  	[sflag:s30] =	ssyncset.done $0x0  }
0xfd: {  	[sflag:s30] =	ssyncadd.s32 $0xFFFFD800  }
0xfe: {  	_ =	swait.ge [sflag:s1], $0x2800  }
0xff: {  	[sflag:s1] =	ssyncset.done $0x0  }
0x100: {  	s8 =	simm.s32 $0x4DD0;
	[sflag:s1] =	ssyncadd.s32 $0xFFFFD800  }
0x101: {  	[spmem:s28] =	stream.indirect.scatter.add.f32 [tilespmem:s29], [sflag:$0x3], $0x80, s8, s25, $0xb8;
	[tilespmem:$0x1E320] =	vst v63  }
0x102: {  	_ =	swait.ge [sflag:s30], $0x2800  }
0x103: {  	[sflag:s30] =	ssyncset.done $0x0  }
0x104: {  	[sflag:s30] =	ssyncadd.s32 $0xFFFFD800  }
0x105: {  	s5 =	stileid.u32;
	[bflag:$0x0] =	sbarrier.arrive $0xFFFF  }
0x106: {  	s4 =	sshll.u32 s5, $0x6;
	s6 =	rddreg [dreg:$0x1f]  }
0x107: {  	s4 =	sor.u32 $0x1C03, s4;
	s5 =	sshrl.u32 s6, $0x3;
	s6 =	rddreg [dreg:$0x4]  }
0x108: {  	[hbm:s6], [sflag:s4] =	dma.local [spmem:s5], $0x190  }
0x109: {  	_ =	swait.ge [sflag:s30], $0x190  }
0x10a: {  	s7 =	sld [smem:$0x7F4];
	_ =	sdelay $0x1  }
0x10b: {  	[sflag:s30] =	ssyncset.done $0x0  }
0x10c: {  	s8 =	rddreg [dreg:$0x5];
	[sflag:s30] =	ssyncadd.s32 $0xFFFFFE70;
	s5 =	sshrl.u32 s7, $0x3  }
0x10d: {  	[hbm:s8], [sflag:s4] =	dma.local [spmem:s5], $0x190  }
0x10e: {  	_ =	swait.ge [sflag:s30], $0x190  }
0x10f: {  	s7 =	sld [smem:$0x7F5];
	_ =	sdelay $0x1  }
0x110: {  	[sflag:s30] =	ssyncset.done $0x0  }
0x111: {  	s8 =	rddreg [dreg:$0x6];
	[sflag:s30] =	ssyncadd.s32 $0xFFFFFE70;
	s5 =	sshrl.u32 s7, $0x3  }
0x112: {  	[hbm:s8], [sflag:s4] =	dma.local [spmem:s5], $0x190  }
0x113: {  	_ =	swait.ge [sflag:s30], $0x190  }
0x114: {  	s7 =	sld [smem:$0x7F6];
	_ =	sdelay $0x1  }
0x115: {  	[sflag:s30] =	ssyncset.done $0x0  }
0x116: {  	s8 =	rddreg [dreg:$0x7];
	[sflag:s30] =	ssyncadd.s32 $0xFFFFFE70;
	s5 =	sshrl.u32 s7, $0x3  }
0x117: {  	[hbm:s8], [sflag:s4] =	dma.local [spmem:s5], $0x190  }
0x118: {  	_ =	swait.ge [sflag:s30], $0x190  }
0x119: {  	s7 =	sld [smem:$0x7F7];
	_ =	sdelay $0x1  }
0x11a: {  	[sflag:s30] =	ssyncset.done $0x0  }
0x11b: {  	s8 =	rddreg [dreg:$0x8];
	[sflag:s30] =	ssyncadd.s32 $0xFFFFFE70;
	s5 =	sshrl.u32 s7, $0x3  }
0x11c: {  	[hbm:s8], [sflag:s4] =	dma.local [spmem:s5], $0x190  }
0x11d: {  	_ =	swait.ge [sflag:s30], $0x190  }
0x11e: {  	[sflag:s30] =	ssyncset.done $0x0  }
0x11f: {  	s6 =	sshrl.u32 s9, $0x3;
	s8 =	rddreg [dreg:$0x9];
	[sflag:s30] =	ssyncadd.s32 $0xFFFFFE70  }
0x120: {  	[hbm:s8], [sflag:s4] =	dma.local [spmem:s6], $0x190  }
0x121: {  	_ =	swait.ge [sflag:s30], $0x190  }
0x122: {  	s7 =	smov.u32 s9;
	s9 =	sshrl.u32 s10, $0x3;
	[sflag:s30] =	ssyncset.done $0x0  }
0x123: {  	s8 =	smov.u32 s10;
	s10 =	rddreg [dreg:$0xa];
	[sflag:s30] =	ssyncadd.s32 $0xFFFFFE70  }
0x124: {  	[hbm:s10], [sflag:s4] =	dma.local [spmem:s9], $0x190  }
0x125: {  	_ =	swait.ge [sflag:s30], $0x190  }
0x126: {  	s9 =	sld [smem:$0x7F8];
	_ =	sdelay $0x1  }
0x127: {  	[sflag:s30] =	ssyncset.done $0x0  }
0x128: {  	s10 =	rddreg [dreg:$0xb];
	[sflag:s30] =	ssyncadd.s32 $0xFFFFFE70;
	s5 =	sshrl.u32 s9, $0x3  }
0x129: {  	[hbm:s10], [sflag:s4] =	dma.local [spmem:s5], $0x190  }
0x12a: {  	_ =	swait.ge [sflag:s30], $0x190  }
0x12b: {  	s9 =	sld [smem:$0x7F9];
	_ =	sdelay $0x1  }
0x12c: {  	[sflag:s30] =	ssyncset.done $0x0  }
0x12d: {  	s10 =	rddreg [dreg:$0xc];
	[sflag:s30] =	ssyncadd.s32 $0xFFFFFE70;
	s5 =	sshrl.u32 s9, $0x3  }
0x12e: {  	[hbm:s10], [sflag:s4] =	dma.local [spmem:s5], $0x190  }
0x12f: {  	_ =	swait.ge [sflag:s30], $0x190  }
0x130: {  	s9 =	sld [smem:$0x7FA];
	_ =	sdelay $0x1  }
0x131: {  	[sflag:s30] =	ssyncset.done $0x0  }
0x132: {  	s10 =	rddreg [dreg:$0xd];
	[sflag:s30] =	ssyncadd.s32 $0xFFFFFE70;
	s5 =	sshrl.u32 s9, $0x3  }
0x133: {  	[hbm:s10], [sflag:s4] =	dma.local [spmem:s5], $0x190  }
0x134: {  	_ =	swait.ge [sflag:s30], $0x190  }
0x135: {  	s9 =	sld [smem:$0x7FB];
	_ =	sdelay $0x1  }
0x136: {  	[sflag:s30] =	ssyncset.done $0x0  }
0x137: {  	s10 =	rddreg [dreg:$0xe];
	[sflag:s30] =	ssyncadd.s32 $0xFFFFFE70;
	s5 =	sshrl.u32 s9, $0x3  }
0x138: {  	[hbm:s10], [sflag:s4] =	dma.local [spmem:s5], $0x190  }
0x139: {  	_ =	swait.ge [sflag:s30], $0x190  }
0x13a: {  	[sflag:s30] =	ssyncset.done $0x0  }
0x13b: {  	s9 =	sshrl.u32 s11, $0x3;
	s10 =	rddreg [dreg:$0xf];
	[sflag:s30] =	ssyncadd.s32 $0xFFFFFE70  }
0x13c: {  	[hbm:s10], [sflag:s4] =	dma.local [spmem:s9], $0x190  }
0x13d: {  	_ =	swait.ge [sflag:s30], $0x190  }
0x13e: {  	[sflag:s30] =	ssyncset.done $0x0  }
0x13f: {  	s9 =	sshrl.u32 s12, $0x3;
	s10 =	rddreg [dreg:$0x10];
	[sflag:s30] =	ssyncadd.s32 $0xFFFFFE70  }
0x140: {  	[hbm:s10], [sflag:s4] =	dma.local [spmem:s9], $0x190  }
0x141: {  	_ =	swait.ge [sflag:s30], $0x190  }
0x142: {  	[sflag:s30] =	ssyncset.done $0x0  }
0x143: {  	s9 =	sshrl.u32 s13, $0x3;
	s10 =	rddreg [dreg:$0x11];
	[sflag:s30] =	ssyncadd.s32 $0xFFFFFE70  }
0x144: {  	[hbm:s10], [sflag:s4] =	dma.local [spmem:s9], $0x190  }
0x145: {  	_ =	swait.ge [sflag:s30], $0x190  }
0x146: {  	[sflag:s30] =	ssyncset.done $0x0  }
0x147: {  	s9 =	sshrl.u32 s14, $0x3;
	s10 =	rddreg [dreg:$0x12];
	[sflag:s30] =	ssyncadd.s32 $0xFFFFFE70  }
0x148: {  	[hbm:s10], [sflag:s4] =	dma.local [spmem:s9], $0x190  }
0x149: {  	_ =	swait.ge [sflag:s30], $0x190  }
0x14a: {  	[sflag:s30] =	ssyncset.done $0x0  }
0x14b: {  	s9 =	sshrl.u32 s15, $0x3;
	s10 =	rddreg [dreg:$0x13];
	[sflag:s30] =	ssyncadd.s32 $0xFFFFFE70  }
0x14c: {  	[hbm:s10], [sflag:s4] =	dma.local [spmem:s9], $0x190  }
0x14d: {  	_ =	swait.ge [sflag:s30], $0x190  }
0x14e: {  	[sflag:s30] =	ssyncset.done $0x0  }
0x14f: {  	s9 =	sshrl.u32 s16, $0x3;
	s10 =	rddreg [dreg:$0x14];
	[sflag:s30] =	ssyncadd.s32 $0xFFFFFE70  }
0x150: {  	[hbm:s10], [sflag:s4] =	dma.local [spmem:s9], $0x190  }
0x151: {  	_ =	swait.ge [sflag:s30], $0x190  }
0x152: {  	[sflag:s30] =	ssyncset.done $0x0  }
0x153: {  	s9 =	sshrl.u32 s17, $0x3;
	s10 =	rddreg [dreg:$0x15];
	[sflag:s30] =	ssyncadd.s32 $0xFFFFFE70  }
0x154: {  	[hbm:s10], [sflag:s4] =	dma.local [spmem:s9], $0x190  }
0x155: {  	_ =	swait.ge [sflag:s30], $0x190  }
0x156: {  	[sflag:s30] =	ssyncset.done $0x0  }
0x157: {  	s9 =	sshrl.u32 s18, $0x3;
	s10 =	rddreg [dreg:$0x16];
	[sflag:s30] =	ssyncadd.s32 $0xFFFFFE70  }
0x158: {  	[hbm:s10], [sflag:s4] =	dma.local [spmem:s9], $0x190  }
0x159: {  	_ =	swait.ge [sflag:s30], $0x190  }
0x15a: {  	[sflag:s30] =	ssyncset.done $0x0  }
0x15b: {  	s9 =	sshrl.u32 s19, $0x3;
	s10 =	rddreg [dreg:$0x17];
	[sflag:s30] =	ssyncadd.s32 $0xFFFFFE70  }
0x15c: {  	[hbm:s10], [sflag:s4] =	dma.local [spmem:s9], $0x190  }
0x15d: {  	_ =	swait.ge [sflag:s30], $0x190  }
0x15e: {  	[sflag:s30] =	ssyncset.done $0x0  }
0x15f: {  	s9 =	sshrl.u32 s20, $0x3;
	s10 =	rddreg [dreg:$0x18];
	[sflag:s30] =	ssyncadd.s32 $0xFFFFFE70  }
0x160: {  	[hbm:s10], [sflag:s4] =	dma.local [spmem:s9], $0x190  }
0x161: {  	_ =	swait.ge [sflag:s30], $0x190  }
0x162: {  	[sflag:s30] =	ssyncset.done $0x0  }
0x163: {  	s9 =	sshrl.u32 s21, $0x3;
	s10 =	rddreg [dreg:$0x19];
	[sflag:s30] =	ssyncadd.s32 $0xFFFFFE70  }
0x164: {  	[hbm:s10], [sflag:s4] =	dma.local [spmem:s9], $0x190  }
0x165: {  	_ =	swait.ge [sflag:s30], $0x190  }
0x166: {  	[sflag:s30] =	ssyncset.done $0x0  }
0x167: {  	s9 =	sshrl.u32 s22, $0x3;
	s10 =	rddreg [dreg:$0x1a];
	[sflag:s30] =	ssyncadd.s32 $0xFFFFFE70  }
0x168: {  	[hbm:s10], [sflag:s4] =	dma.local [spmem:s9], $0x190  }
0x169: {  	_ =	swait.ge [sflag:s30], $0x190  }
0x16a: {  	[sflag:s30] =	ssyncset.done $0x0  }
0x16b: {  	s9 =	sshrl.u32 s23, $0x3;
	s10 =	rddreg [dreg:$0x1b];
	[sflag:s30] =	ssyncadd.s32 $0xFFFFFE70  }
0x16c: {  	[hbm:s10], [sflag:s4] =	dma.local [spmem:s9], $0x190  }
0x16d: {  	_ =	swait.ge [sflag:s30], $0x190  }
0x16e: {  	[sflag:s30] =	ssyncset.done $0x0  }
0x16f: {  	s6 =	sshrl.u32 s24, $0x3;
	s9 =	rddreg [dreg:$0x1c];
	[sflag:s30] =	ssyncadd.s32 $0xFFFFFE70  }
0x170: {  	[hbm:s9], [sflag:s4] =	dma.local [spmem:s6], $0x190  }
0x171: {  	_ =	swait.ge [sflag:s30], $0x190  }
0x172: {  	s10 =	sld [smem:$0x7FD];
	_ =	sdelay $0x1  }
0x173: {  	s3 =	sadd.s32 $0x1, s3  }
0x174: {  	p0 =	sne.s32 s3, s10  }
.Ltmp2:
0x175: {  	_ = 	snop;
	(pc) =	sbr.rel @p0 .LBB2_1-.Ltmp2, $3  }
0x176: {  	_ =	sdelay $0x1  }
0x177: {  	[sflag:s30] =	ssyncset.done $0x0  }
0x178: {  	[sflag:s30] =	ssyncadd.s32 $0xFFFFFE70  }
0x179: {  	_ =	sfence.sel $0x180000  }
0x17a: {  	[bflag:$0x0] =	sbarrier.arrive $0xFFFF  }
0x17b: {  	_ =	strace $0x90000047  }
0x17c: {  	s0 =	stileid.u32;
	[bflag:$0x2] =	sbarrier.arrive $0xFFFF  }
0x17d: {  	p0 =	sne.s32 s0, $0x0;
	s0 =	rddreg [dreg:$0x3]  }
0x17e: {  	s0 =	sadd.s32 @!p0 $0x100000, s0  }
0x17f: {  	[sflag:s0] =	ssyncadd.tile.s32 @!p0 $0x1;
	_ =	shalt  }
.Lfunc_end2:
_tile_overlayer_lowered:
.L_overlay_start_2:
0x180: {  	(tag) =	ssettag $0x2  }
0x181: {  	s0 =	rddreg [dreg:$0x0];
	s2 =	stileid.u32  }
0x182: {  	s1 =	rddreg [dreg:$0x1];
	p0 =	sne.s32 s2, $0x0  }
0x183: {  	s3 =	rddreg [dreg:$0x2];
	[bflag:$0x3] =	sbarrier.arrive $0xFFFF;
	s2 =	simm.s32 @!p0 $0x1C03  }
0x184: {  	[timem:s3], [sflag:s2] =	dma.local @!p0 [hbm:s0], s1  }
0x185: {  	s0 =	simm.s32 @!p0 $0x3  }
0x186: {  	_ =	swait.ge @!p0 [sflag:s0], s1  }
0x187: {  	s1 =	ssub.s32 @!p0 $0x0, s1;
	[sflag:s0] =	ssyncset.done @!p0 $0x0  }
0x188: {  	[sflag:s0] =	ssyncadd.s32 @!p0 s1  }
0x189: {  	[bflag:$0x3] =	sbarrier.arrive $0xFFFF  }
0x18a: {  	_ =	shalt  }

</sc_bundles>
